<compile_context>
chip_gen: v7x
topology: tpu7x:2x2x1
jax: 0.10.2.dev20260603
libtpu: 0.0.44.dev20260713+nightly
codegen_flags: <defaults>
</compile_context>

<pallas_src>
import functools

import jax
import jax.numpy as jnp
from jax import lax
from jax.experimental import pallas as pl
from jax.experimental.pallas import tpu as pltpu
from jax.experimental.pallas import tpu_sc as plsc

_N = 10000
_E = 320000
_F = 128
_NG = 64
_NCLASS = 10

_CORES = 2
_SUB = 16
_NW = _CORES * _SUB
_RPS = 632
_NPAD = _SUB * _RPS
_CHUNK = 128
_BLKC = 40
_NBLK = 2
_CPS = _BLKC * _NBLK
_EPW = _CPS * _CHUNK
_EPAD = _NW * _EPW

_sc_mesh = plsc.VectorSubcoreMesh(core_axis_name="c", subcore_axis_name="s")


@functools.partial(
    pl.kernel,
    out_type=jax.ShapeDtypeStruct((_CORES, _NPAD, _F), jnp.float32),
    mesh=_sc_mesh,
    scratch_types=[
        pltpu.VMEM_SHARED((_NPAD, _F), jnp.float32),
        pltpu.VMEM((_BLKC, _CHUNK), jnp.int32),
        pltpu.VMEM((_BLKC, _CHUNK), jnp.int32),
        pltpu.VMEM((_CHUNK, _F), jnp.float32),
        pltpu.VMEM((_CHUNK, _F), jnp.float32),
        pltpu.SemaphoreType.DMA,
        pltpu.SemaphoreType.DMA,
        pltpu.SemaphoreType.DMA,
        pltpu.SemaphoreType.DMA,
    ],
)
def _sc_aggregate(h_hbm, src_hbm, dst_hbm, out_hbm, acc_sh, src_v, dst_v,
                  rows0, rows1, g0, g1, t0, t1):
    c = lax.axis_index("c")
    s = lax.axis_index("s")
    r0 = s * _RPS
    pltpu.sync_copy(h_hbm.at[pl.ds(r0, _RPS)], acc_sh.at[pl.ds(r0, _RPS)])
    plsc.subcore_barrier()

    def block(b, carry):
        pltpu.sync_copy(src_hbm.at[c, s, pl.ds(b * _BLKC, _BLKC)], src_v)
        pltpu.sync_copy(dst_hbm.at[c, s, pl.ds(b * _BLKC, _BLKC)], dst_v)
        pltpu.async_copy(h_hbm.at[src_v.at[0]], rows0, g0)
        pltpu.async_copy(h_hbm.at[src_v.at[1]], rows1, g1)

        def pair(i, carry2):
            j = 2 * i
            pltpu.make_async_copy(h_hbm.at[src_v.at[j]], rows0, g0).wait()
            pltpu.async_copy(h_hbm.at[src_v.at[j + 2]], rows0, g0)
            pltpu.make_async_copy(h_hbm.at[src_v.at[j + 1]], rows1, g1).wait()
            pltpu.async_copy(h_hbm.at[src_v.at[j + 3]], rows1, g1)
            return carry2

        lax.fori_loop(0, (_BLKC - 2) // 2, pair, carry)
        pltpu.make_async_copy(h_hbm.at[src_v.at[_BLKC - 2]], rows0, g0).wait()
        pltpu.sync_copy(rows0, acc_sh.at[dst_v.at[_BLKC - 2]], add=True)
        pltpu.make_async_copy(h_hbm.at[src_v.at[_BLKC - 1]], rows1, g1).wait()
        pltpu.sync_copy(rows1, acc_sh.at[dst_v.at[_BLKC - 1]], add=True)
        return carry

    lax.fori_loop(0, _NBLK, block, 0)
    plsc.subcore_barrier()
    pltpu.sync_copy(acc_sh.at[pl.ds(r0, _RPS)], out_hbm.at[c, pl.ds(r0, _RPS)])


def _mlp_body(agg_ref, h_ref, w1_ref, b1_ref, w2_ref, sc_ref, sh_ref, out_ref):
    x = agg_ref[0] + agg_ref[1] - h_ref[...]
    h = jnp.dot(x, w1_ref[...], preferred_element_type=jnp.float32) + b1_ref[...]
    h = jnp.maximum(h, 0.0)
    h = jnp.dot(h, w2_ref[...], preferred_element_type=jnp.float32)
    out_ref[...] = jnp.maximum(h * sc_ref[...] + sh_ref[...], 0.0)


_tc_mlp = pl.pallas_call(
    _mlp_body,
    out_shape=jax.ShapeDtypeStruct((_NPAD, _F), jnp.float32),
)


def _final_body(agg_ref, h_ref, w1_ref, b1_ref, w2_ref, sc_ref, sh_ref, batch_ref,
                fcw_ref, fcb_ref, out_ref):
    x = agg_ref[0] + agg_ref[1] - h_ref[...]
    h = jnp.dot(x, w1_ref[...], preferred_element_type=jnp.float32) + b1_ref[...]
    h = jnp.maximum(h, 0.0)
    h = jnp.dot(h, w2_ref[...], preferred_element_type=jnp.float32)
    h = jnp.maximum(h * sc_ref[...] + sh_ref[...], 0.0)
    gids = lax.broadcasted_iota(jnp.int32, (_NPAD, _NG), 1)
    onehot = (batch_ref[...] == gids).astype(jnp.float32)
    sums = lax.dot_general(onehot, h, (((0,), (0,)), ((), ())),
                           preferred_element_type=jnp.float32)
    counts = jnp.sum(onehot, axis=0).reshape(_NG, 1)
    pooled = sums / jnp.maximum(counts, 1.0)
    logits = jnp.dot(pooled, fcw_ref[...], preferred_element_type=jnp.float32)
    logits = logits + fcb_ref[...]
    mx = jnp.max(logits, axis=1, keepdims=True)
    lse = jnp.log(jnp.sum(jnp.exp(logits - mx), axis=1, keepdims=True)) + mx
    out_ref[...] = logits - lse


_tc_final = pl.pallas_call(
    _final_body,
    out_shape=jax.ShapeDtypeStruct((_NG, _NCLASS), jnp.float32),
)


def _pad_edges(edge_index):
    pad_e = _EPAD - _E
    spread = _N + (jnp.arange(pad_e, dtype=jnp.int32) % (_NPAD - _N))
    src = jnp.concatenate([edge_index[0], spread])
    dst = jnp.concatenate([edge_index[1], spread])
    return (src.reshape(_CORES, _SUB, _CPS, _CHUNK),
            dst.reshape(_CORES, _SUB, _CPS, _CHUNK))


def kernel(x, edge_index, batch, params, fc_W, fc_b):
    h = jnp.pad(x, ((0, _NPAD - _N), (0, 0)))
    src, dst = _pad_edges(edge_index)
    batch_pad = jnp.concatenate(
        [batch, jnp.full((_NPAD - _N,), _NG, jnp.int32)]).reshape(_NPAD, 1)

    out = None
    for i, (W1, b1, W2, b2, g, be, m, v) in enumerate(params):
        scale = g / jnp.sqrt(v + 1e-5)
        shift = (b2 - m) * scale + be
        aggs = _sc_aggregate(h, src, dst)
        args = (aggs, h, W1, b1.reshape(1, _F), W2,
                scale.reshape(1, _F), shift.reshape(1, _F))
        if i < len(params) - 1:
            h = _tc_mlp(*args)
        else:
            out = _tc_final(*args, batch_pad, fc_W, fc_b.reshape(1, _NCLASS))
    return out

# --- scband reference (transcript-rebuilt; emitter-appended) ---
"""Pipeline reference for scband-gin-11879879544634 (READ-ONLY COPY).

The authoritative reference and input builder live on the scoring server;
editing this copy changes nothing except your own understanding.
"""

import jax, jax.numpy as jnp
import numpy as np

N = 10000
E = 320000
NFEAT = 128
NHID = 128
NCLASS = 10
NCONVS = 3
NGRAPH = 64


def setup_inputs(seed: int = 0):
    key = jax.random.key(seed)
    ks = jax.random.split(key, 4 + 2 * NCONVS)
    x = jax.random.normal(ks[0], (N, NFEAT), dtype=jnp.float32)
    edge_index = jax.random.randint(ks[1], (2, E), 0, N, dtype=jnp.int32)
    batch = jnp.sort(jax.random.randint(ks[2], (N,), 0, NGRAPH, dtype=jnp.int32))
    params = []
    for i in range(NCONVS):
        fin = NFEAT if i == 0 else NHID
        kW1 = ks[3 + 2 * i]
        kW2 = ks[4 + 2 * i]
        W1 = jax.random.normal(kW1, (fin, NHID), dtype=jnp.float32) * (1.0 / np.sqrt(fin))
        b1 = jnp.zeros((NHID,), jnp.float32)
        W2 = jax.random.normal(kW2, (NHID, NHID), dtype=jnp.float32) * (1.0 / np.sqrt(NHID))
        b2 = jnp.zeros((NHID,), jnp.float32)
        g = jnp.ones((NHID,), jnp.float32)
        be = jnp.zeros((NHID,), jnp.float32)
        m = jnp.zeros((NHID,), jnp.float32)
        v = jnp.ones((NHID,), jnp.float32)
        params.append((W1, b1, W2, b2, g, be, m, v))
    fc_W = jax.random.normal(ks[3 + 2 * NCONVS], (NHID, NCLASS), dtype=jnp.float32) * (1.0 / np.sqrt(NHID))
    fc_b = jnp.zeros((NCLASS,), jnp.float32)
    return {"x": x, "edge_index": edge_index, "batch": batch, "params": tuple(params), "fc_W": fc_W, "fc_b": fc_b}


def reference(x, edge_index, batch, params, fc_W, fc_b):
    # GIN forward (eval mode: dropout is identity, BatchNorm uses running stats)
    h = x
    for (W1, b1, W2, b2, g, be, m, v) in params:
        # GINConv: MLP((1 + eps) * x + sum_{j in N(i)} x_j), eps = 0
        msgs = h[edge_index[0]]
        agg = jax.ops.segment_sum(msgs, edge_index[1], num_segments=N)
        h2 = agg + h
        h2 = jnp.maximum(h2 @ W1 + b1, 0.0)
        h2 = h2 @ W2 + b2
        h2 = (h2 - m) / jnp.sqrt(v + 1e-5) * g + be
        h = jnp.maximum(h2, 0.0)
    # global mean pool over graphs in batch
    sums = jax.ops.segment_sum(h, batch, num_segments=NGRAPH)
    counts = jax.ops.segment_sum(jnp.ones((N,), jnp.float32), batch, num_segments=NGRAPH)
    pooled = sums / jnp.clip(counts, 1.0)[:, None]
    logits = pooled @ fc_W + fc_b
    return jax.nn.log_softmax(logits, axis=1)

if __name__ == "__main__":
    import jax
    _d = setup_inputs()
    print(jax.jit(kernel)(*tuple(_d.values())))

</pallas_src>

<mosaic_0001>
#map = affine_map<(d0, d1) -> (0, 0)>
#map1 = affine_map<(d0, d1) -> (0, 0, 0, 0)>
#map2 = affine_map<(d0, d1) -> (0, 0, 0)>
module attributes {stable_mosaic.version = 14 : i64} {
  func.func @_sc_aggregate(%arg0: i32, %arg1: i32, %arg2: memref<10112x128xf32, #tpu.memory_space<hbm>>, %arg3: memref<2x16x80x128xi32, #tpu.memory_space<hbm>>, %arg4: memref<2x16x80x128xi32, #tpu.memory_space<hbm>>, %arg5: memref<2x10112x128xf32, #tpu.memory_space<hbm>>, %arg6: memref<10112x128xf32, #tpu.memory_space<vmem_shared>>, %arg7: memref<40x128xi32, #tpu.memory_space<vmem>>, %arg8: memref<40x128xi32, #tpu.memory_space<vmem>>, %arg9: memref<128x128xf32, #tpu.memory_space<vmem>>, %arg10: memref<128x128xf32, #tpu.memory_space<vmem>>, %arg11: memref<!tpu.dma_semaphore, #tpu.memory_space<semaphore_mem>>, %arg12: memref<!tpu.dma_semaphore, #tpu.memory_space<semaphore_mem>>, %arg13: memref<!tpu.dma_semaphore, #tpu.memory_space<semaphore_mem>>, %arg14: memref<!tpu.dma_semaphore, #tpu.memory_space<semaphore_mem>>) attributes {dimension_semantics = [#tpu.dimension_semantics<core_parallel>, #tpu.dimension_semantics<subcore_parallel>], iteration_bounds = array<i64: 2, 16>, scalar_prefetch = 0 : i64, scratch_operands = 9 : i64, tpu.core_type = #tpu.core_type<sc_vector_subcore>, window_params = [{transform_indices = #map}, {transform_indices = #map1}, {transform_indices = #map1}, {transform_indices = #map2}]} {
    %mul3A = arith.constant 632 : i32
    %mul3A_0 = arith.muli %arg1, %mul3A : i32
    "tpu.region"() ({
      %run_scoped3A = tpu.sem_alloc : memref<!tpu.dma_semaphore, #tpu.memory_space<semaphore_mem>>
      %dma_start3A = arith.constant 0 : i32
      %dma_start3A_7 = tpu.memref_slice %arg6[%mul3A_0, %dma_start3A] : memref<10112x128xf32, #tpu.memory_space<vmem_shared>> -> memref<632x128xf32, #tpu.memory_space<vmem_shared>>
      %dma_start3A_8 = arith.constant 0 : i32
      %dma_start3A_9 = tpu.memref_slice %arg2[%mul3A_0, %dma_start3A_8] : memref<10112x128xf32, #tpu.memory_space<hbm>> -> memref<632x128xf32, #tpu.memory_space<hbm>>
      tpu.enqueue_dma source(%dma_start3A_9 : memref<632x128xf32, #tpu.memory_space<hbm>>) target(%dma_start3A_7 : memref<632x128xf32, #tpu.memory_space<vmem_shared>>) target_semaphore(%run_scoped3A : memref<!tpu.dma_semaphore, #tpu.memory_space<semaphore_mem>>)
      %dma_wait3A = arith.constant 0 : i32
      %dma_wait3A_10 = tpu.memref_slice %arg6[%mul3A_0, %dma_wait3A] : memref<10112x128xf32, #tpu.memory_space<vmem_shared>> -> memref<632x128xf32, #tpu.memory_space<vmem_shared>>
      %dma_wait3A_11 = arith.constant 0 : i32
      %dma_wait3A_12 = tpu.memref_slice %arg2[%mul3A_0, %dma_wait3A_11] : memref<10112x128xf32, #tpu.memory_space<hbm>> -> memref<632x128xf32, #tpu.memory_space<hbm>>
      tpu.wait_dma2 semaphore(%run_scoped3A : memref<!tpu.dma_semaphore, #tpu.memory_space<semaphore_mem>>) src(%dma_wait3A_12 : memref<632x128xf32, #tpu.memory_space<hbm>>) dst(%dma_wait3A_10 : memref<632x128xf32, #tpu.memory_space<vmem_shared>>)
      tpu.yield
    }) : () -> ()
    %barrier3A = arith.constant 0 : index
    tpu.barrier barrier_id(%barrier3A)
    %scan3A = arith.constant 0 : i32
    %scan3A_1 = arith.constant 0 : i32
    %scan3A_2 = arith.constant 2 : i32
    %scan3A_3 = arith.addi %scan3A_1, %scan3A_2 : i32
    %scan3A_4 = arith.constant 1 : i32
    scf.for %scan3A_7 = %scan3A_1 to %scan3A_3 step %scan3A_4  : i32 {
      %mul3A_8 = arith.constant 40 : i32
      %mul3A_9 = arith.muli %scan3A_7, %mul3A_8 : i32
      "tpu.region"() ({
        %run_scoped3A_44 = tpu.sem_alloc : memref<!tpu.dma_semaphore, #tpu.memory_space<semaphore_mem>>
        %dma_start3A_45 = arith.constant 0 : i32
        %dma_start3A_46 = tpu.memref_slice %arg3[%arg0, %arg1, %mul3A_9, %dma_start3A_45] : memref<2x16x80x128xi32, #tpu.memory_space<hbm>> -> memref<1x1x40x128xi32, #tpu.memory_space<hbm>>
        %dma_start3A_47 = tpu.memref_squeeze %dma_start3A_46 : memref<1x1x40x128xi32, #tpu.memory_space<hbm>> -> memref<40x128xi32, #tpu.memory_space<hbm>>
        %dma_start3A_48 = arith.constant 0 : i32
        %dma_start3A_49 = tpu.memref_slice %arg3[%arg0, %arg1, %mul3A_9, %dma_start3A_48] : memref<2x16x80x128xi32, #tpu.memory_space<hbm>> -> memref<1x1x40x128xi32, #tpu.memory_space<hbm>>
        %dma_start3A_50 = tpu.memref_squeeze %dma_start3A_49 : memref<1x1x40x128xi32, #tpu.memory_space<hbm>> -> memref<40x128xi32, #tpu.memory_space<hbm>>
        tpu.enqueue_dma source(%dma_start3A_50 : memref<40x128xi32, #tpu.memory_space<hbm>>) target(%arg7 : memref<40x128xi32, #tpu.memory_space<vmem>>) target_semaphore(%run_scoped3A_44 : memref<!tpu.dma_semaphore, #tpu.memory_space<semaphore_mem>>)
        %dma_wait3A_51 = arith.constant 0 : i32
        %dma_wait3A_52 = tpu.memref_slice %arg3[%arg0, %arg1, %mul3A_9, %dma_wait3A_51] : memref<2x16x80x128xi32, #tpu.memory_space<hbm>> -> memref<1x1x40x128xi32, #tpu.memory_space<hbm>>
        %dma_wait3A_53 = tpu.memref_squeeze %dma_wait3A_52 : memref<1x1x40x128xi32, #tpu.memory_space<hbm>> -> memref<40x128xi32, #tpu.memory_space<hbm>>
        %dma_wait3A_54 = arith.constant 0 : i32
        %dma_wait3A_55 = tpu.memref_slice %arg3[%arg0, %arg1, %mul3A_9, %dma_wait3A_54] : memref<2x16x80x128xi32, #tpu.memory_space<hbm>> -> memref<1x1x40x128xi32, #tpu.memory_space<hbm>>
        %dma_wait3A_56 = tpu.memref_squeeze %dma_wait3A_55 : memref<1x1x40x128xi32, #tpu.memory_space<hbm>> -> memref<40x128xi32, #tpu.memory_space<hbm>>
        tpu.wait_dma2 semaphore(%run_scoped3A_44 : memref<!tpu.dma_semaphore, #tpu.memory_space<semaphore_mem>>) src(%dma_wait3A_56 : memref<40x128xi32, #tpu.memory_space<hbm>>) dst(%arg7 : memref<40x128xi32, #tpu.memory_space<vmem>>)
        tpu.yield
      }) : () -> ()
      %mul3A_10 = arith.constant 40 : i32
      %mul3A_11 = arith.muli %scan3A_7, %mul3A_10 : i32
      "tpu.region"() ({
        %run_scoped3A_44 = tpu.sem_alloc : memref<!tpu.dma_semaphore, #tpu.memory_space<semaphore_mem>>
        %dma_start3A_45 = arith.constant 0 : i32
        %dma_start3A_46 = tpu.memref_slice %arg4[%arg0, %arg1, %mul3A_11, %dma_start3A_45] : memref<2x16x80x128xi32, #tpu.memory_space<hbm>> -> memref<1x1x40x128xi32, #tpu.memory_space<hbm>>
        %dma_start3A_47 = tpu.memref_squeeze %dma_start3A_46 : memref<1x1x40x128xi32, #tpu.memory_space<hbm>> -> memref<40x128xi32, #tpu.memory_space<hbm>>
        %dma_start3A_48 = arith.constant 0 : i32
        %dma_start3A_49 = tpu.memref_slice %arg4[%arg0, %arg1, %mul3A_11, %dma_start3A_48] : memref<2x16x80x128xi32, #tpu.memory_space<hbm>> -> memref<1x1x40x128xi32, #tpu.memory_space<hbm>>
        %dma_start3A_50 = tpu.memref_squeeze %dma_start3A_49 : memref<1x1x40x128xi32, #tpu.memory_space<hbm>> -> memref<40x128xi32, #tpu.memory_space<hbm>>
        tpu.enqueue_dma source(%dma_start3A_50 : memref<40x128xi32, #tpu.memory_space<hbm>>) target(%arg8 : memref<40x128xi32, #tpu.memory_space<vmem>>) target_semaphore(%run_scoped3A_44 : memref<!tpu.dma_semaphore, #tpu.memory_space<semaphore_mem>>)
        %dma_wait3A_51 = arith.constant 0 : i32
        %dma_wait3A_52 = tpu.memref_slice %arg4[%arg0, %arg1, %mul3A_11, %dma_wait3A_51] : memref<2x16x80x128xi32, #tpu.memory_space<hbm>> -> memref<1x1x40x128xi32, #tpu.memory_space<hbm>>
        %dma_wait3A_53 = tpu.memref_squeeze %dma_wait3A_52 : memref<1x1x40x128xi32, #tpu.memory_space<hbm>> -> memref<40x128xi32, #tpu.memory_space<hbm>>
        %dma_wait3A_54 = arith.constant 0 : i32
        %dma_wait3A_55 = tpu.memref_slice %arg4[%arg0, %arg1, %mul3A_11, %dma_wait3A_54] : memref<2x16x80x128xi32, #tpu.memory_space<hbm>> -> memref<1x1x40x128xi32, #tpu.memory_space<hbm>>
        %dma_wait3A_56 = tpu.memref_squeeze %dma_wait3A_55 : memref<1x1x40x128xi32, #tpu.memory_space<hbm>> -> memref<40x128xi32, #tpu.memory_space<hbm>>
        tpu.wait_dma2 semaphore(%run_scoped3A_44 : memref<!tpu.dma_semaphore, #tpu.memory_space<semaphore_mem>>) src(%dma_wait3A_56 : memref<40x128xi32, #tpu.memory_space<hbm>>) dst(%arg8 : memref<40x128xi32, #tpu.memory_space<vmem>>)
        tpu.yield
      }) : () -> ()
      %dma_start3A = arith.constant 0 : i32
      %dma_start3A_12 = arith.constant 0 : i32
      %dma_start3A_13 = tpu.memref_slice %arg7[%dma_start3A, %dma_start3A_12] : memref<40x128xi32, #tpu.memory_space<vmem>> -> memref<1x128xi32, #tpu.memory_space<vmem>>
      %dma_start3A_14 = tpu.memref_squeeze %dma_start3A_13 : memref<1x128xi32, #tpu.memory_space<vmem>> -> memref<128xi32, #tpu.memory_space<vmem>>
      %dma_start3A_15 = arith.constant 0 : i32
      %dma_start3A_16 = arith.constant 0 : i32
      %dma_start3A_17 = tpu.memref_slice %arg2[%dma_start3A_15, %dma_start3A_16] : memref<10112x128xf32, #tpu.memory_space<hbm>> -> memref<10112x128xf32, #tpu.memory_space<hbm>>
      tpu.enqueue_indirect_dma source(%dma_start3A_17 : memref<10112x128xf32, #tpu.memory_space<hbm>>) target(%arg9 : memref<128x128xf32, #tpu.memory_space<vmem>>) offsets(%dma_start3A_14 : memref<128xi32, #tpu.memory_space<vmem>>) semaphore(%arg11 : memref<!tpu.dma_semaphore, #tpu.memory_space<semaphore_mem>>)
      %dma_start3A_18 = arith.constant 1 : i32
      %dma_start3A_19 = arith.constant 0 : i32
      %dma_start3A_20 = tpu.memref_slice %arg7[%dma_start3A_18, %dma_start3A_19] : memref<40x128xi32, #tpu.memory_space<vmem>> -> memref<1x128xi32, #tpu.memory_space<vmem>>
      %dma_start3A_21 = tpu.memref_squeeze %dma_start3A_20 : memref<1x128xi32, #tpu.memory_space<vmem>> -> memref<128xi32, #tpu.memory_space<vmem>>
      %dma_start3A_22 = arith.constant 0 : i32
      %dma_start3A_23 = arith.constant 0 : i32
      %dma_start3A_24 = tpu.memref_slice %arg2[%dma_start3A_22, %dma_start3A_23] : memref<10112x128xf32, #tpu.memory_space<hbm>> -> memref<10112x128xf32, #tpu.memory_space<hbm>>
      tpu.enqueue_indirect_dma source(%dma_start3A_24 : memref<10112x128xf32, #tpu.memory_space<hbm>>) target(%arg10 : memref<128x128xf32, #tpu.memory_space<vmem>>) offsets(%dma_start3A_21 : memref<128xi32, #tpu.memory_space<vmem>>) semaphore(%arg12 : memref<!tpu.dma_semaphore, #tpu.memory_space<semaphore_mem>>)
      %scan3A_25 = arith.constant 0 : i32
      %scan3A_26 = arith.constant 19 : i32
      %scan3A_27 = arith.addi %scan3A_25, %scan3A_26 : i32
      %scan3A_28 = arith.constant 1 : i32
      scf.for %scan3A_44 = %scan3A_25 to %scan3A_27 step %scan3A_28  : i32 {
        %mul3A_45 = arith.constant 2 : i32
        %mul3A_46 = arith.muli %mul3A_45, %scan3A_44 : i32
        %dma_wait3A_47 = arith.constant 0 : i32
        %dma_wait3A_48 = tpu.memref_slice %arg7[%mul3A_46, %dma_wait3A_47] : memref<40x128xi32, #tpu.memory_space<vmem>> -> memref<1x128xi32, #tpu.memory_space<vmem>>
        %dma_wait3A_49 = tpu.memref_squeeze %dma_wait3A_48 : memref<1x128xi32, #tpu.memory_space<vmem>> -> memref<128xi32, #tpu.memory_space<vmem>>
        %dma_wait3A_50 = arith.constant 0 : i32
        %dma_wait3A_51 = arith.constant 0 : i32
        %dma_wait3A_52 = tpu.memref_slice %arg2[%dma_wait3A_50, %dma_wait3A_51] : memref<10112x128xf32, #tpu.memory_space<hbm>> -> memref<10112x128xf32, #tpu.memory_space<hbm>>
        tpu.wait_indirect_dma semaphore(%arg11 : memref<!tpu.dma_semaphore, #tpu.memory_space<semaphore_mem>>) src(%dma_wait3A_52 : memref<10112x128xf32, #tpu.memory_space<hbm>>) dst(%arg9 : memref<128x128xf32, #tpu.memory_space<vmem>>)
        %add3A = arith.constant 2 : i32
        %add3A_53 = arith.addi %mul3A_46, %add3A : i32
        %dma_start3A_54 = arith.constant 0 : i32
        %dma_start3A_55 = tpu.memref_slice %arg7[%add3A_53, %dma_start3A_54] : memref<40x128xi32, #tpu.memory_space<vmem>> -> memref<1x128xi32, #tpu.memory_space<vmem>>
        %dma_start3A_56 = tpu.memref_squeeze %dma_start3A_55 : memref<1x128xi32, #tpu.memory_space<vmem>> -> memref<128xi32, #tpu.memory_space<vmem>>
        %dma_start3A_57 = arith.constant 0 : i32
        %dma_start3A_58 = arith.constant 0 : i32
        %dma_start3A_59 = tpu.memref_slice %arg2[%dma_start3A_57, %dma_start3A_58] : memref<10112x128xf32, #tpu.memory_space<hbm>> -> memref<10112x128xf32, #tpu.memory_space<hbm>>
        tpu.enqueue_indirect_dma source(%dma_start3A_59 : memref<10112x128xf32, #tpu.memory_space<hbm>>) target(%arg9 : memref<128x128xf32, #tpu.memory_space<vmem>>) offsets(%dma_start3A_56 : memref<128xi32, #tpu.memory_space<vmem>>) semaphore(%arg11 : memref<!tpu.dma_semaphore, #tpu.memory_space<semaphore_mem>>)
        %add3A_60 = arith.constant 1 : i32
        %add3A_61 = arith.addi %mul3A_46, %add3A_60 : i32
        %dma_wait3A_62 = arith.constant 0 : i32
        %dma_wait3A_63 = tpu.memref_slice %arg7[%add3A_61, %dma_wait3A_62] : memref<40x128xi32, #tpu.memory_space<vmem>> -> memref<1x128xi32, #tpu.memory_space<vmem>>
        %dma_wait3A_64 = tpu.memref_squeeze %dma_wait3A_63 : memref<1x128xi32, #tpu.memory_space<vmem>> -> memref<128xi32, #tpu.memory_space<vmem>>
        %dma_wait3A_65 = arith.constant 0 : i32
        %dma_wait3A_66 = arith.constant 0 : i32
        %dma_wait3A_67 = tpu.memref_slice %arg2[%dma_wait3A_65, %dma_wait3A_66] : memref<10112x128xf32, #tpu.memory_space<hbm>> -> memref<10112x128xf32, #tpu.memory_space<hbm>>
        tpu.wait_indirect_dma semaphore(%arg12 : memref<!tpu.dma_semaphore, #tpu.memory_space<semaphore_mem>>) src(%dma_wait3A_67 : memref<10112x128xf32, #tpu.memory_space<hbm>>) dst(%arg10 : memref<128x128xf32, #tpu.memory_space<vmem>>)
        %add3A_68 = arith.constant 3 : i32
        %add3A_69 = arith.addi %mul3A_46, %add3A_68 : i32
        %dma_start3A_70 = arith.constant 0 : i32
        %dma_start3A_71 = tpu.memref_slice %arg7[%add3A_69, %dma_start3A_70] : memref<40x128xi32, #tpu.memory_space<vmem>> -> memref<1x128xi32, #tpu.memory_space<vmem>>
        %dma_start3A_72 = tpu.memref_squeeze %dma_start3A_71 : memref<1x128xi32, #tpu.memory_space<vmem>> -> memref<128xi32, #tpu.memory_space<vmem>>
        %dma_start3A_73 = arith.constant 0 : i32
        %dma_start3A_74 = arith.constant 0 : i32
        %dma_start3A_75 = tpu.memref_slice %arg2[%dma_start3A_73, %dma_start3A_74] : memref<10112x128xf32, #tpu.memory_space<hbm>> -> memref<10112x128xf32, #tpu.memory_space<hbm>>
        tpu.enqueue_indirect_dma source(%dma_start3A_75 : memref<10112x128xf32, #tpu.memory_space<hbm>>) target(%arg10 : memref<128x128xf32, #tpu.memory_space<vmem>>) offsets(%dma_start3A_72 : memref<128xi32, #tpu.memory_space<vmem>>) semaphore(%arg12 : memref<!tpu.dma_semaphore, #tpu.memory_space<semaphore_mem>>)
      }
      %scan3A_29 = arith.constant 19 : i32
      %dma_wait3A = arith.constant 38 : i32
      %dma_wait3A_30 = arith.constant 0 : i32
      %dma_wait3A_31 = tpu.memref_slice %arg7[%dma_wait3A, %dma_wait3A_30] : memref<40x128xi32, #tpu.memory_space<vmem>> -> memref<1x128xi32, #tpu.memory_space<vmem>>
      %dma_wait3A_32 = tpu.memref_squeeze %dma_wait3A_31 : memref<1x128xi32, #tpu.memory_space<vmem>> -> memref<128xi32, #tpu.memory_space<vmem>>
      %dma_wait3A_33 = arith.constant 0 : i32
      %dma_wait3A_34 = arith.constant 0 : i32
      %dma_wait3A_35 = tpu.memref_slice %arg2[%dma_wait3A_33, %dma_wait3A_34] : memref<10112x128xf32, #tpu.memory_space<hbm>> -> memref<10112x128xf32, #tpu.memory_space<hbm>>
      tpu.wait_indirect_dma semaphore(%arg11 : memref<!tpu.dma_semaphore, #tpu.memory_space<semaphore_mem>>) src(%dma_wait3A_35 : memref<10112x128xf32, #tpu.memory_space<hbm>>) dst(%arg9 : memref<128x128xf32, #tpu.memory_space<vmem>>)
      %run_scoped3A = arith.constant 38 : i32
      "tpu.region"() ({
        %run_scoped3A_44 = tpu.sem_alloc : memref<!tpu.dma_semaphore, #tpu.memory_space<semaphore_mem>>
        %dma_start3A_45 = arith.constant 0 : i32
        %dma_start3A_46 = tpu.memref_slice %arg8[%run_scoped3A, %dma_start3A_45] : memref<40x128xi32, #tpu.memory_space<vmem>> -> memref<1x128xi32, #tpu.memory_space<vmem>>
        %dma_start3A_47 = tpu.memref_squeeze %dma_start3A_46 : memref<1x128xi32, #tpu.memory_space<vmem>> -> memref<128xi32, #tpu.memory_space<vmem>>
        %dma_start3A_48 = arith.constant 0 : i32
        %dma_start3A_49 = arith.constant 0 : i32
        %dma_start3A_50 = tpu.memref_slice %arg6[%dma_start3A_48, %dma_start3A_49] : memref<10112x128xf32, #tpu.memory_space<vmem_shared>> -> memref<10112x128xf32, #tpu.memory_space<vmem_shared>>
        tpu.enqueue_indirect_dma source(%arg9 : memref<128x128xf32, #tpu.memory_space<vmem>>) target(%dma_start3A_50 : memref<10112x128xf32, #tpu.memory_space<vmem_shared>>) offsets(%dma_start3A_47 : memref<128xi32, #tpu.memory_space<vmem>>) semaphore(%run_scoped3A_44 : memref<!tpu.dma_semaphore, #tpu.memory_space<semaphore_mem>>) {add = true}
        %dma_wait3A_51 = arith.constant 0 : i32
        %dma_wait3A_52 = tpu.memref_slice %arg8[%run_scoped3A, %dma_wait3A_51] : memref<40x128xi32, #tpu.memory_space<vmem>> -> memref<1x128xi32, #tpu.memory_space<vmem>>
        %dma_wait3A_53 = tpu.memref_squeeze %dma_wait3A_52 : memref<1x128xi32, #tpu.memory_space<vmem>> -> memref<128xi32, #tpu.memory_space<vmem>>
        %dma_wait3A_54 = arith.constant 0 : i32
        %dma_wait3A_55 = arith.constant 0 : i32
        %dma_wait3A_56 = tpu.memref_slice %arg6[%dma_wait3A_54, %dma_wait3A_55] : memref<10112x128xf32, #tpu.memory_space<vmem_shared>> -> memref<10112x128xf32, #tpu.memory_space<vmem_shared>>
        tpu.wait_indirect_dma semaphore(%run_scoped3A_44 : memref<!tpu.dma_semaphore, #tpu.memory_space<semaphore_mem>>) src(%arg9 : memref<128x128xf32, #tpu.memory_space<vmem>>) dst(%dma_wait3A_56 : memref<10112x128xf32, #tpu.memory_space<vmem_shared>>)
        tpu.yield
      }) : () -> ()
      %dma_wait3A_36 = arith.constant 39 : i32
      %dma_wait3A_37 = arith.constant 0 : i32
      %dma_wait3A_38 = tpu.memref_slice %arg7[%dma_wait3A_36, %dma_wait3A_37] : memref<40x128xi32, #tpu.memory_space<vmem>> -> memref<1x128xi32, #tpu.memory_space<vmem>>
      %dma_wait3A_39 = tpu.memref_squeeze %dma_wait3A_38 : memref<1x128xi32, #tpu.memory_space<vmem>> -> memref<128xi32, #tpu.memory_space<vmem>>
      %dma_wait3A_40 = arith.constant 0 : i32
      %dma_wait3A_41 = arith.constant 0 : i32
      %dma_wait3A_42 = tpu.memref_slice %arg2[%dma_wait3A_40, %dma_wait3A_41] : memref<10112x128xf32, #tpu.memory_space<hbm>> -> memref<10112x128xf32, #tpu.memory_space<hbm>>
      tpu.wait_indirect_dma semaphore(%arg12 : memref<!tpu.dma_semaphore, #tpu.memory_space<semaphore_mem>>) src(%dma_wait3A_42 : memref<10112x128xf32, #tpu.memory_space<hbm>>) dst(%arg10 : memref<128x128xf32, #tpu.memory_space<vmem>>)
      %run_scoped3A_43 = arith.constant 39 : i32
      "tpu.region"() ({
        %run_scoped3A_44 = tpu.sem_alloc : memref<!tpu.dma_semaphore, #tpu.memory_space<semaphore_mem>>
        %dma_start3A_45 = arith.constant 0 : i32
        %dma_start3A_46 = tpu.memref_slice %arg8[%run_scoped3A_43, %dma_start3A_45] : memref<40x128xi32, #tpu.memory_space<vmem>> -> memref<1x128xi32, #tpu.memory_space<vmem>>
        %dma_start3A_47 = tpu.memref_squeeze %dma_start3A_46 : memref<1x128xi32, #tpu.memory_space<vmem>> -> memref<128xi32, #tpu.memory_space<vmem>>
        %dma_start3A_48 = arith.constant 0 : i32
        %dma_start3A_49 = arith.constant 0 : i32
        %dma_start3A_50 = tpu.memref_slice %arg6[%dma_start3A_48, %dma_start3A_49] : memref<10112x128xf32, #tpu.memory_space<vmem_shared>> -> memref<10112x128xf32, #tpu.memory_space<vmem_shared>>
        tpu.enqueue_indirect_dma source(%arg10 : memref<128x128xf32, #tpu.memory_space<vmem>>) target(%dma_start3A_50 : memref<10112x128xf32, #tpu.memory_space<vmem_shared>>) offsets(%dma_start3A_47 : memref<128xi32, #tpu.memory_space<vmem>>) semaphore(%run_scoped3A_44 : memref<!tpu.dma_semaphore, #tpu.memory_space<semaphore_mem>>) {add = true}
        %dma_wait3A_51 = arith.constant 0 : i32
        %dma_wait3A_52 = tpu.memref_slice %arg8[%run_scoped3A_43, %dma_wait3A_51] : memref<40x128xi32, #tpu.memory_space<vmem>> -> memref<1x128xi32, #tpu.memory_space<vmem>>
        %dma_wait3A_53 = tpu.memref_squeeze %dma_wait3A_52 : memref<1x128xi32, #tpu.memory_space<vmem>> -> memref<128xi32, #tpu.memory_space<vmem>>
        %dma_wait3A_54 = arith.constant 0 : i32
        %dma_wait3A_55 = arith.constant 0 : i32
        %dma_wait3A_56 = tpu.memref_slice %arg6[%dma_wait3A_54, %dma_wait3A_55] : memref<10112x128xf32, #tpu.memory_space<vmem_shared>> -> memref<10112x128xf32, #tpu.memory_space<vmem_shared>>
        tpu.wait_indirect_dma semaphore(%run_scoped3A_44 : memref<!tpu.dma_semaphore, #tpu.memory_space<semaphore_mem>>) src(%arg10 : memref<128x128xf32, #tpu.memory_space<vmem>>) dst(%dma_wait3A_56 : memref<10112x128xf32, #tpu.memory_space<vmem_shared>>)
        tpu.yield
      }) : () -> ()
    }
    %scan3A_5 = arith.constant 2 : i32
    %barrier3A_6 = arith.constant 0 : index
    tpu.barrier barrier_id(%barrier3A_6)
    "tpu.region"() ({
      %run_scoped3A = tpu.sem_alloc : memref<!tpu.dma_semaphore, #tpu.memory_space<semaphore_mem>>
      %dma_start3A = arith.constant 0 : i32
      %dma_start3A_7 = tpu.memref_slice %arg5[%arg0, %mul3A_0, %dma_start3A] : memref<2x10112x128xf32, #tpu.memory_space<hbm>> -> memref<1x632x128xf32, #tpu.memory_space<hbm>>
      %dma_start3A_8 = tpu.memref_squeeze %dma_start3A_7 : memref<1x632x128xf32, #tpu.memory_space<hbm>> -> memref<632x128xf32, #tpu.memory_space<hbm>>
      %dma_start3A_9 = arith.constant 0 : i32
      %dma_start3A_10 = tpu.memref_slice %arg6[%mul3A_0, %dma_start3A_9] : memref<10112x128xf32, #tpu.memory_space<vmem_shared>> -> memref<632x128xf32, #tpu.memory_space<vmem_shared>>
      tpu.enqueue_dma source(%dma_start3A_10 : memref<632x128xf32, #tpu.memory_space<vmem_shared>>) target(%dma_start3A_8 : memref<632x128xf32, #tpu.memory_space<hbm>>) target_semaphore(%run_scoped3A : memref<!tpu.dma_semaphore, #tpu.memory_space<semaphore_mem>>)
      %dma_wait3A = arith.constant 0 : i32
      %dma_wait3A_11 = tpu.memref_slice %arg5[%arg0, %mul3A_0, %dma_wait3A] : memref<2x10112x128xf32, #tpu.memory_space<hbm>> -> memref<1x632x128xf32, #tpu.memory_space<hbm>>
      %dma_wait3A_12 = tpu.memref_squeeze %dma_wait3A_11 : memref<1x632x128xf32, #tpu.memory_space<hbm>> -> memref<632x128xf32, #tpu.memory_space<hbm>>
      %dma_wait3A_13 = arith.constant 0 : i32
      %dma_wait3A_14 = tpu.memref_slice %arg6[%mul3A_0, %dma_wait3A_13] : memref<10112x128xf32, #tpu.memory_space<vmem_shared>> -> memref<632x128xf32, #tpu.memory_space<vmem_shared>>
      tpu.wait_dma2 semaphore(%run_scoped3A : memref<!tpu.dma_semaphore, #tpu.memory_space<semaphore_mem>>) src(%dma_wait3A_14 : memref<632x128xf32, #tpu.memory_space<vmem_shared>>) dst(%dma_wait3A_12 : memref<632x128xf32, #tpu.memory_space<hbm>>)
      tpu.yield
    }) : () -> ()
    return
  }
}

#map = affine_map<(d0, d1) -> (0, 0)>
#map1 = affine_map<(d0, d1) -> (0, 0, 0, 0)>
#map2 = affine_map<(d0, d1) -> (0, 0, 0)>
module attributes {stable_mosaic.version = 14 : i64} {
  func.func @_sc_aggregate(%arg0: i32, %arg1: i32, %arg2: memref<10112x128xf32, #tpu.memory_space<hbm>>, %arg3: memref<2x16x80x128xi32, #tpu.memory_space<hbm>>, %arg4: memref<2x16x80x128xi32, #tpu.memory_space<hbm>>, %arg5: memref<2x10112x128xf32, #tpu.memory_space<hbm>>, %arg6: memref<10112x128xf32, #tpu.memory_space<vmem_shared>>, %arg7: memref<40x128xi32, #tpu.memory_space<vmem>>, %arg8: memref<40x128xi32, #tpu.memory_space<vmem>>, %arg9: memref<128x128xf32, #tpu.memory_space<vmem>>, %arg10: memref<128x128xf32, #tpu.memory_space<vmem>>, %arg11: memref<!tpu.dma_semaphore, #tpu.memory_space<semaphore_mem>>, %arg12: memref<!tpu.dma_semaphore, #tpu.memory_space<semaphore_mem>>, %arg13: memref<!tpu.dma_semaphore, #tpu.memory_space<semaphore_mem>>, %arg14: memref<!tpu.dma_semaphore, #tpu.memory_space<semaphore_mem>>) attributes {dimension_semantics = [#tpu.dimension_semantics<core_parallel>, #tpu.dimension_semantics<subcore_parallel>], iteration_bounds = array<i64: 2, 16>, scalar_prefetch = 0 : i64, scratch_operands = 9 : i64, tpu.core_type = #tpu.core_type<sc_vector_subcore>, window_params = [{transform_indices = #map}, {transform_indices = #map1}, {transform_indices = #map1}, {transform_indices = #map2}]} {
    %mul3A = arith.constant 632 : i32
    %mul3A_0 = arith.muli %arg1, %mul3A : i32
    "tpu.region"() ({
      %run_scoped3A = tpu.sem_alloc : memref<!tpu.dma_semaphore, #tpu.memory_space<semaphore_mem>>
      %dma_start3A = arith.constant 0 : i32
      %dma_start3A_7 = tpu.memref_slice %arg6[%mul3A_0, %dma_start3A] : memref<10112x128xf32, #tpu.memory_space<vmem_shared>> -> memref<632x128xf32, #tpu.memory_space<vmem_shared>>
      %dma_start3A_8 = arith.constant 0 : i32
      %dma_start3A_9 = tpu.memref_slice %arg2[%mul3A_0, %dma_start3A_8] : memref<10112x128xf32, #tpu.memory_space<hbm>> -> memref<632x128xf32, #tpu.memory_space<hbm>>
      tpu.enqueue_dma source(%dma_start3A_9 : memref<632x128xf32, #tpu.memory_space<hbm>>) target(%dma_start3A_7 : memref<632x128xf32, #tpu.memory_space<vmem_shared>>) target_semaphore(%run_scoped3A : memref<!tpu.dma_semaphore, #tpu.memory_space<semaphore_mem>>)
      %dma_wait3A = arith.constant 0 : i32
      %dma_wait3A_10 = tpu.memref_slice %arg6[%mul3A_0, %dma_wait3A] : memref<10112x128xf32, #tpu.memory_space<vmem_shared>> -> memref<632x128xf32, #tpu.memory_space<vmem_shared>>
      %dma_wait3A_11 = arith.constant 0 : i32
      %dma_wait3A_12 = tpu.memref_slice %arg2[%mul3A_0, %dma_wait3A_11] : memref<10112x128xf32, #tpu.memory_space<hbm>> -> memref<632x128xf32, #tpu.memory_space<hbm>>
      tpu.wait_dma2 semaphore(%run_scoped3A : memref<!tpu.dma_semaphore, #tpu.memory_space<semaphore_mem>>) src(%dma_wait3A_12 : memref<632x128xf32, #tpu.memory_space<hbm>>) dst(%dma_wait3A_10 : memref<632x128xf32, #tpu.memory_space<vmem_shared>>)
      tpu.yield
    }) : () -> ()
    %barrier3A = arith.constant 0 : index
    tpu.barrier barrier_id(%barrier3A)
    %scan3A = arith.constant 0 : i32
    %scan3A_1 = arith.constant 0 : i32
    %scan3A_2 = arith.constant 2 : i32
    %scan3A_3 = arith.addi %scan3A_1, %scan3A_2 : i32
    %scan3A_4 = arith.constant 1 : i32
    scf.for %scan3A_7 = %scan3A_1 to %scan3A_3 step %scan3A_4  : i32 {
      %mul3A_8 = arith.constant 40 : i32
      %mul3A_9 = arith.muli %scan3A_7, %mul3A_8 : i32
      "tpu.region"() ({
        %run_scoped3A_44 = tpu.sem_alloc : memref<!tpu.dma_semaphore, #tpu.memory_space<semaphore_mem>>
        %dma_start3A_45 = arith.constant 0 : i32
        %dma_start3A_46 = tpu.memref_slice %arg3[%arg0, %arg1, %mul3A_9, %dma_start3A_45] : memref<2x16x80x128xi32, #tpu.memory_space<hbm>> -> memref<1x1x40x128xi32, #tpu.memory_space<hbm>>
        %dma_start3A_47 = tpu.memref_squeeze %dma_start3A_46 : memref<1x1x40x128xi32, #tpu.memory_space<hbm>> -> memref<40x128xi32, #tpu.memory_space<hbm>>
        %dma_start3A_48 = arith.constant 0 : i32
        %dma_start3A_49 = tpu.memref_slice %arg3[%arg0, %arg1, %mul3A_9, %dma_start3A_48] : memref<2x16x80x128xi32, #tpu.memory_space<hbm>> -> memref<1x1x40x128xi32, #tpu.memory_space<hbm>>
        %dma_start3A_50 = tpu.memref_squeeze %dma_start3A_49 : memref<1x1x40x128xi32, #tpu.memory_space<hbm>> -> memref<40x128xi32, #tpu.memory_space<hbm>>
        tpu.enqueue_dma source(%dma_start3A_50 : memref<40x128xi32, #tpu.memory_space<hbm>>) target(%arg7 : memref<40x128xi32, #tpu.memory_space<vmem>>) target_semaphore(%run_scoped3A_44 : memref<!tpu.dma_semaphore, #tpu.memory_space<semaphore_mem>>)
        %dma_wait3A_51 = arith.constant 0 : i32
        %dma_wait3A_52 = tpu.memref_slice %arg3[%arg0, %arg1, %mul3A_9, %dma_wait3A_51] : memref<2x16x80x128xi32, #tpu.memory_space<hbm>> -> memref<1x1x40x128xi32, #tpu.memory_space<hbm>>
        %dma_wait3A_53 = tpu.memref_squeeze %dma_wait3A_52 : memref<1x1x40x128xi32, #tpu.memory_space<hbm>> -> memref<40x128xi32, #tpu.memory_space<hbm>>
        %dma_wait3A_54 = arith.constant 0 : i32
        %dma_wait3A_55 = tpu.memref_slice %arg3[%arg0, %arg1, %mul3A_9, %dma_wait3A_54] : memref<2x16x80x128xi32, #tpu.memory_space<hbm>> -> memref<1x1x40x128xi32, #tpu.memory_space<hbm>>
        %dma_wait3A_56 = tpu.memref_squeeze %dma_wait3A_55 : memref<1x1x40x128xi32, #tpu.memory_space<hbm>> -> memref<40x128xi32, #tpu.memory_space<hbm>>
        tpu.wait_dma2 semaphore(%run_scoped3A_44 : memref<!tpu.dma_semaphore, #tpu.memory_space<semaphore_mem>>) src(%dma_wait3A_56 : memref<40x128xi32, #tpu.memory_space<hbm>>) dst(%arg7 : memref<40x128xi32, #tpu.memory_space<vmem>>)
        tpu.yield
      }) : () -> ()
      %mul3A_10 = arith.constant 40 : i32
      %mul3A_11 = arith.muli %scan3A_7, %mul3A_10 : i32
      "tpu.region"() ({
        %run_scoped3A_44 = tpu.sem_alloc : memref<!tpu.dma_semaphore, #tpu.memory_space<semaphore_mem>>
        %dma_start3A_45 = arith.constant 0 : i32
        %dma_start3A_46 = tpu.memref_slice %arg4[%arg0, %arg1, %mul3A_11, %dma_start3A_45] : memref<2x16x80x128xi32, #tpu.memory_space<hbm>> -> memref<1x1x40x128xi32, #tpu.memory_space<hbm>>
        %dma_start3A_47 = tpu.memref_squeeze %dma_start3A_46 : memref<1x1x40x128xi32, #tpu.memory_space<hbm>> -> memref<40x128xi32, #tpu.memory_space<hbm>>
        %dma_start3A_48 = arith.constant 0 : i32
        %dma_start3A_49 = tpu.memref_slice %arg4[%arg0, %arg1, %mul3A_11, %dma_start3A_48] : memref<2x16x80x128xi32, #tpu.memory_space<hbm>> -> memref<1x1x40x128xi32, #tpu.memory_space<hbm>>
        %dma_start3A_50 = tpu.memref_squeeze %dma_start3A_49 : memref<1x1x40x128xi32, #tpu.memory_space<hbm>> -> memref<40x128xi32, #tpu.memory_space<hbm>>
        tpu.enqueue_dma source(%dma_start3A_50 : memref<40x128xi32, #tpu.memory_space<hbm>>) target(%arg8 : memref<40x128xi32, #tpu.memory_space<vmem>>) target_semaphore(%run_scoped3A_44 : memref<!tpu.dma_semaphore, #tpu.memory_space<semaphore_mem>>)
        %dma_wait3A_51 = arith.constant 0 : i32
        %dma_wait3A_52 = tpu.memref_slice %arg4[%arg0, %arg1, %mul3A_11, %dma_wait3A_51] : memref<2x16x80x128xi32, #tpu.memory_space<hbm>> -> memref<1x1x40x128xi32, #tpu.memory_space<hbm>>
        %dma_wait3A_53 = tpu.memref_squeeze %dma_wait3A_52 : memref<1x1x40x128xi32, #tpu.memory_space<hbm>> -> memref<40x128xi32, #tpu.memory_space<hbm>>
        %dma_wait3A_54 = arith.constant 0 : i32
        %dma_wait3A_55 = tpu.memref_slice %arg4[%arg0, %arg1, %mul3A_11, %dma_wait3A_54] : memref<2x16x80x128xi32, #tpu.memory_space<hbm>> -> memref<1x1x40x128xi32, #tpu.memory_space<hbm>>
        %dma_wait3A_56 = tpu.memref_squeeze %dma_wait3A_55 : memref<1x1x40x128xi32, #tpu.memory_space<hbm>> -> memref<40x128xi32, #tpu.memory_space<hbm>>
        tpu.wait_dma2 semaphore(%run_scoped3A_44 : memref<!tpu.dma_semaphore, #tpu.memory_space<semaphore_mem>>) src(%dma_wait3A_56 : memref<40x128xi32, #tpu.memory_space<hbm>>) dst(%arg8 : memref<40x128xi32, #tpu.memory_space<vmem>>)
        tpu.yield
      }) : () -> ()
      %dma_start3A = arith.constant 0 : i32
      %dma_start3A_12 = arith.constant 0 : i32
      %dma_start3A_13 = tpu.memref_slice %arg7[%dma_start3A, %dma_start3A_12] : memref<40x128xi32, #tpu.memory_space<vmem>> -> memref<1x128xi32, #tpu.memory_space<vmem>>
      %dma_start3A_14 = tpu.memref_squeeze %dma_start3A_13 : memref<1x128xi32, #tpu.memory_space<vmem>> -> memref<128xi32, #tpu.memory_space<vmem>>
      %dma_start3A_15 = arith.constant 0 : i32
      %dma_start3A_16 = arith.constant 0 : i32
      %dma_start3A_17 = tpu.memref_slice %arg2[%dma_start3A_15, %dma_start3A_16] : memref<10112x128xf32, #tpu.memory_space<hbm>> -> memref<10112x128xf32, #tpu.memory_space<hbm>>
      tpu.enqueue_indirect_dma source(%dma_start3A_17 : memref<10112x128xf32, #tpu.memory_space<hbm>>) target(%arg9 : memref<128x128xf32, #tpu.memory_space<vmem>>) offsets(%dma_start3A_14 : memref<128xi32, #tpu.memory_space<vmem>>) semaphore(%arg11 : memref<!tpu.dma_semaphore, #tpu.memory_space<semaphore_mem>>)
      %dma_start3A_18 = arith.constant 1 : i32
      %dma_start3A_19 = arith.constant 0 : i32
      %dma_start3A_20 = tpu.memref_slice %arg7[%dma_start3A_18, %dma_start3A_19] : memref<40x128xi32, #tpu.memory_space<vmem>> -> memref<1x128xi32, #tpu.memory_space<vmem>>
      %dma_start3A_21 = tpu.memref_squeeze %dma_start3A_20 : memref<1x128xi32, #tpu.memory_space<vmem>> -> memref<128xi32, #tpu.memory_space<vmem>>
      %dma_start3A_22 = arith.constant 0 : i32
      %dma_start3A_23 = arith.constant 0 : i32
      %dma_start3A_24 = tpu.memref_slice %arg2[%dma_start3A_22, %dma_start3A_23] : memref<10112x128xf32, #tpu.memory_space<hbm>> -> memref<10112x128xf32, #tpu.memory_space<hbm>>
      tpu.enqueue_indirect_dma source(%dma_start3A_24 : memref<10112x128xf32, #tpu.memory_space<hbm>>) target(%arg10 : memref<128x128xf32, #tpu.memory_space<vmem>>) offsets(%dma_start3A_21 : memref<128xi32, #tpu.memory_space<vmem>>) semaphore(%arg12 : memref<!tpu.dma_semaphore, #tpu.memory_space<semaphore_mem>>)
      %scan3A_25 = arith.constant 0 : i32
      %scan3A_26 = arith.constant 19 : i32
      %scan3A_27 = arith.addi %scan3A_25, %scan3A_26 : i32
      %scan3A_28 = arith.constant 1 : i32
      scf.for %scan3A_44 = %scan3A_25 to %scan3A_27 step %scan3A_28  : i32 {
        %mul3A_45 = arith.constant 2 : i32
        %mul3A_46 = arith.muli %mul3A_45, %scan3A_44 : i32
        %dma_wait3A_47 = arith.constant 0 : i32
        %dma_wait3A_48 = tpu.memref_slice %arg7[%mul3A_46, %dma_wait3A_47] : memref<40x128xi32, #tpu.memory_space<vmem>> -> memref<1x128xi32, #tpu.memory_space<vmem>>
        %dma_wait3A_49 = tpu.memref_squeeze %dma_wait3A_48 : memref<1x128xi32, #tpu.memory_space<vmem>> -> memref<128xi32, #tpu.memory_space<vmem>>
        %dma_wait3A_50 = arith.constant 0 : i32
        %dma_wait3A_51 = arith.constant 0 : i32
        %dma_wait3A_52 = tpu.memref_slice %arg2[%dma_wait3A_50, %dma_wait3A_51] : memref<10112x128xf32, #tpu.memory_space<hbm>> -> memref<10112x128xf32, #tpu.memory_space<hbm>>
        tpu.wait_indirect_dma semaphore(%arg11 : memref<!tpu.dma_semaphore, #tpu.memory_space<semaphore_mem>>) src(%dma_wait3A_52 : memref<10112x128xf32, #tpu.memory_space<hbm>>) dst(%arg9 : memref<128x128xf32, #tpu.memory_space<vmem>>)
        %add3A = arith.constant 2 : i32
        %add3A_53 = arith.addi %mul3A_46, %add3A : i32
        %dma_start3A_54 = arith.constant 0 : i32
        %dma_start3A_55 = tpu.memref_slice %arg7[%add3A_53, %dma_start3A_54] : memref<40x128xi32, #tpu.memory_space<vmem>> -> memref<1x128xi32, #tpu.memory_space<vmem>>
        %dma_start3A_56 = tpu.memref_squeeze %dma_start3A_55 : memref<1x128xi32, #tpu.memory_space<vmem>> -> memref<128xi32, #tpu.memory_space<vmem>>
        %dma_start3A_57 = arith.constant 0 : i32
        %dma_start3A_58 = arith.constant 0 : i32
        %dma_start3A_59 = tpu.memref_slice %arg2[%dma_start3A_57, %dma_start3A_58] : memref<10112x128xf32, #tpu.memory_space<hbm>> -> memref<10112x128xf32, #tpu.memory_space<hbm>>
        tpu.enqueue_indirect_dma source(%dma_start3A_59 : memref<10112x128xf32, #tpu.memory_space<hbm>>) target(%arg9 : memref<128x128xf32, #tpu.memory_space<vmem>>) offsets(%dma_start3A_56 : memref<128xi32, #tpu.memory_space<vmem>>) semaphore(%arg11 : memref<!tpu.dma_semaphore, #tpu.memory_space<semaphore_mem>>)
        %add3A_60 = arith.constant 1 : i32
        %add3A_61 = arith.addi %mul3A_46, %add3A_60 : i32
        %dma_wait3A_62 = arith.constant 0 : i32
        %dma_wait3A_63 = tpu.memref_slice %arg7[%add3A_61, %dma_wait3A_62] : memref<40x128xi32, #tpu.memory_space<vmem>> -> memref<1x128xi32, #tpu.memory_space<vmem>>
        %dma_wait3A_64 = tpu.memref_squeeze %dma_wait3A_63 : memref<1x128xi32, #tpu.memory_space<vmem>> -> memref<128xi32, #tpu.memory_space<vmem>>
        %dma_wait3A_65 = arith.constant 0 : i32
        %dma_wait3A_66 = arith.constant 0 : i32
        %dma_wait3A_67 = tpu.memref_slice %arg2[%dma_wait3A_65, %dma_wait3A_66] : memref<10112x128xf32, #tpu.memory_space<hbm>> -> memref<10112x128xf32, #tpu.memory_space<hbm>>
        tpu.wait_indirect_dma semaphore(%arg12 : memref<!tpu.dma_semaphore, #tpu.memory_space<semaphore_mem>>) src(%dma_wait3A_67 : memref<10112x128xf32, #tpu.memory_space<hbm>>) dst(%arg10 : memref<128x128xf32, #tpu.memory_space<vmem>>)
        %add3A_68 = arith.constant 3 : i32
        %add3A_69 = arith.addi %mul3A_46, %add3A_68 : i32
        %dma_start3A_70 = arith.constant 0 : i32
        %dma_start3A_71 = tpu.memref_slice %arg7[%add3A_69, %dma_start3A_70] : memref<40x128xi32, #tpu.memory_space<vmem>> -> memref<1x128xi32, #tpu.memory_space<vmem>>
        %dma_start3A_72 = tpu.memref_squeeze %dma_start3A_71 : memref<1x128xi32, #tpu.memory_space<vmem>> -> memref<128xi32, #tpu.memory_space<vmem>>
        %dma_start3A_73 = arith.constant 0 : i32
        %dma_start3A_74 = arith.constant 0 : i32
        %dma_start3A_75 = tpu.memref_slice %arg2[%dma_start3A_73, %dma_start3A_74] : memref<10112x128xf32, #tpu.memory_space<hbm>> -> memref<10112x128xf32, #tpu.memory_space<hbm>>
        tpu.enqueue_indirect_dma source(%dma_start3A_75 : memref<10112x128xf32, #tpu.memory_space<hbm>>) target(%arg10 : memref<128x128xf32, #tpu.memory_space<vmem>>) offsets(%dma_start3A_72 : memref<128xi32, #tpu.memory_space<vmem>>) semaphore(%arg12 : memref<!tpu.dma_semaphore, #tpu.memory_space<semaphore_mem>>)
      }
      %scan3A_29 = arith.constant 19 : i32
      %dma_wait3A = arith.constant 38 : i32
      %dma_wait3A_30 = arith.constant 0 : i32
      %dma_wait3A_31 = tpu.memref_slice %arg7[%dma_wait3A, %dma_wait3A_30] : memref<40x128xi32, #tpu.memory_space<vmem>> -> memref<1x128xi32, #tpu.memory_space<vmem>>
      %dma_wait3A_32 = tpu.memref_squeeze %dma_wait3A_31 : memref<1x128xi32, #tpu.memory_space<vmem>> -> memref<128xi32, #tpu.memory_space<vmem>>
      %dma_wait3A_33 = arith.constant 0 : i32
      %dma_wait3A_34 = arith.constant 0 : i32
      %dma_wait3A_35 = tpu.memref_slice %arg2[%dma_wait3A_33, %dma_wait3A_34] : memref<10112x128xf32, #tpu.memory_space<hbm>> -> memref<10112x128xf32, #tpu.memory_space<hbm>>
      tpu.wait_indirect_dma semaphore(%arg11 : memref<!tpu.dma_semaphore, #tpu.memory_space<semaphore_mem>>) src(%dma_wait3A_35 : memref<10112x128xf32, #tpu.memory_space<hbm>>) dst(%arg9 : memref<128x128xf32, #tpu.memory_space<vmem>>)
      %run_scoped3A = arith.constant 38 : i32
      "tpu.region"() ({
        %run_scoped3A_44 = tpu.sem_alloc : memref<!tpu.dma_semaphore, #tpu.memory_space<semaphore_mem>>
        %dma_start3A_45 = arith.constant 0 : i32
        %dma_start3A_46 = tpu.memref_slice %arg8[%run_scoped3A, %dma_start3A_45] : memref<40x128xi32, #tpu.memory_space<vmem>> -> memref<1x128xi32, #tpu.memory_space<vmem>>
        %dma_start3A_47 = tpu.memref_squeeze %dma_start3A_46 : memref<1x128xi32, #tpu.memory_space<vmem>> -> memref<128xi32, #tpu.memory_space<vmem>>
        %dma_start3A_48 = arith.constant 0 : i32
        %dma_start3A_49 = arith.constant 0 : i32
        %dma_start3A_50 = tpu.memref_slice %arg6[%dma_start3A_48, %dma_start3A_49] : memref<10112x128xf32, #tpu.memory_space<vmem_shared>> -> memref<10112x128xf32, #tpu.memory_space<vmem_shared>>
        tpu.enqueue_indirect_dma source(%arg9 : memref<128x128xf32, #tpu.memory_space<vmem>>) target(%dma_start3A_50 : memref<10112x128xf32, #tpu.memory_space<vmem_shared>>) offsets(%dma_start3A_47 : memref<128xi32, #tpu.memory_space<vmem>>) semaphore(%run_scoped3A_44 : memref<!tpu.dma_semaphore, #tpu.memory_space<semaphore_mem>>) {add = true}
        %dma_wait3A_51 = arith.constant 0 : i32
        %dma_wait3A_52 = tpu.memref_slice %arg8[%run_scoped3A, %dma_wait3A_51] : memref<40x128xi32, #tpu.memory_space<vmem>> -> memref<1x128xi32, #tpu.memory_space<vmem>>
        %dma_wait3A_53 = tpu.memref_squeeze %dma_wait3A_52 : memref<1x128xi32, #tpu.memory_space<vmem>> -> memref<128xi32, #tpu.memory_space<vmem>>
        %dma_wait3A_54 = arith.constant 0 : i32
        %dma_wait3A_55 = arith.constant 0 : i32
        %dma_wait3A_56 = tpu.memref_slice %arg6[%dma_wait3A_54, %dma_wait3A_55] : memref<10112x128xf32, #tpu.memory_space<vmem_shared>> -> memref<10112x128xf32, #tpu.memory_space<vmem_shared>>
        tpu.wait_indirect_dma semaphore(%run_scoped3A_44 : memref<!tpu.dma_semaphore, #tpu.memory_space<semaphore_mem>>) src(%arg9 : memref<128x128xf32, #tpu.memory_space<vmem>>) dst(%dma_wait3A_56 : memref<10112x128xf32, #tpu.memory_space<vmem_shared>>)
        tpu.yield
      }) : () -> ()
      %dma_wait3A_36 = arith.constant 39 : i32
      %dma_wait3A_37 = arith.constant 0 : i32
      %dma_wait3A_38 = tpu.memref_slice %arg7[%dma_wait3A_36, %dma_wait3A_37] : memref<40x128xi32, #tpu.memory_space<vmem>> -> memref<1x128xi32, #tpu.memory_space<vmem>>
      %dma_wait3A_39 = tpu.memref_squeeze %dma_wait3A_38 : memref<1x128xi32, #tpu.memory_space<vmem>> -> memref<128xi32, #tpu.memory_space<vmem>>
      %dma_wait3A_40 = arith.constant 0 : i32
      %dma_wait3A_41 = arith.constant 0 : i32
      %dma_wait3A_42 = tpu.memref_slice %arg2[%dma_wait3A_40, %dma_wait3A_41] : memref<10112x128xf32, #tpu.memory_space<hbm>> -> memref<10112x128xf32, #tpu.memory_space<hbm>>
      tpu.wait_indirect_dma semaphore(%arg12 : memref<!tpu.dma_semaphore, #tpu.memory_space<semaphore_mem>>) src(%dma_wait3A_42 : memref<10112x128xf32, #tpu.memory_space<hbm>>) dst(%arg10 : memref<128x128xf32, #tpu.memory_space<vmem>>)
      %run_scoped3A_43 = arith.constant 39 : i32
      "tpu.region"() ({
        %run_scoped3A_44 = tpu.sem_alloc : memref<!tpu.dma_semaphore, #tpu.memory_space<semaphore_mem>>
        %dma_start3A_45 = arith.constant 0 : i32
        %dma_start3A_46 = tpu.memref_slice %arg8[%run_scoped3A_43, %dma_start3A_45] : memref<40x128xi32, #tpu.memory_space<vmem>> -> memref<1x128xi32, #tpu.memory_space<vmem>>
        %dma_start3A_47 = tpu.memref_squeeze %dma_start3A_46 : memref<1x128xi32, #tpu.memory_space<vmem>> -> memref<128xi32, #tpu.memory_space<vmem>>
        %dma_start3A_48 = arith.constant 0 : i32
        %dma_start3A_49 = arith.constant 0 : i32
        %dma_start3A_50 = tpu.memref_slice %arg6[%dma_start3A_48, %dma_start3A_49] : memref<10112x128xf32, #tpu.memory_space<vmem_shared>> -> memref<10112x128xf32, #tpu.memory_space<vmem_shared>>
        tpu.enqueue_indirect_dma source(%arg10 : memref<128x128xf32, #tpu.memory_space<vmem>>) target(%dma_start3A_50 : memref<10112x128xf32, #tpu.memory_space<vmem_shared>>) offsets(%dma_start3A_47 : memref<128xi32, #tpu.memory_space<vmem>>) semaphore(%run_scoped3A_44 : memref<!tpu.dma_semaphore, #tpu.memory_space<semaphore_mem>>) {add = true}
        %dma_wait3A_51 = arith.constant 0 : i32
        %dma_wait3A_52 = tpu.memref_slice %arg8[%run_scoped3A_43, %dma_wait3A_51] : memref<40x128xi32, #tpu.memory_space<vmem>> -> memref<1x128xi32, #tpu.memory_space<vmem>>
        %dma_wait3A_53 = tpu.memref_squeeze %dma_wait3A_52 : memref<1x128xi32, #tpu.memory_space<vmem>> -> memref<128xi32, #tpu.memory_space<vmem>>
        %dma_wait3A_54 = arith.constant 0 : i32
        %dma_wait3A_55 = arith.constant 0 : i32
        %dma_wait3A_56 = tpu.memref_slice %arg6[%dma_wait3A_54, %dma_wait3A_55] : memref<10112x128xf32, #tpu.memory_space<vmem_shared>> -> memref<10112x128xf32, #tpu.memory_space<vmem_shared>>
        tpu.wait_indirect_dma semaphore(%run_scoped3A_44 : memref<!tpu.dma_semaphore, #tpu.memory_space<semaphore_mem>>) src(%arg10 : memref<128x128xf32, #tpu.memory_space<vmem>>) dst(%dma_wait3A_56 : memref<10112x128xf32, #tpu.memory_space<vmem_shared>>)
        tpu.yield
      }) : () -> ()
    }
    %scan3A_5 = arith.constant 2 : i32
    %barrier3A_6 = arith.constant 0 : index
    tpu.barrier barrier_id(%barrier3A_6)
    "tpu.region"() ({
      %run_scoped3A = tpu.sem_alloc : memref<!tpu.dma_semaphore, #tpu.memory_space<semaphore_mem>>
      %dma_start3A = arith.constant 0 : i32
      %dma_start3A_7 = tpu.memref_slice %arg5[%arg0, %mul3A_0, %dma_start3A] : memref<2x10112x128xf32, #tpu.memory_space<hbm>> -> memref<1x632x128xf32, #tpu.memory_space<hbm>>
      %dma_start3A_8 = tpu.memref_squeeze %dma_start3A_7 : memref<1x632x128xf32, #tpu.memory_space<hbm>> -> memref<632x128xf32, #tpu.memory_space<hbm>>
      %dma_start3A_9 = arith.constant 0 : i32
      %dma_start3A_10 = tpu.memref_slice %arg6[%mul3A_0, %dma_start3A_9] : memref<10112x128xf32, #tpu.memory_space<vmem_shared>> -> memref<632x128xf32, #tpu.memory_space<vmem_shared>>
      tpu.enqueue_dma source(%dma_start3A_10 : memref<632x128xf32, #tpu.memory_space<vmem_shared>>) target(%dma_start3A_8 : memref<632x128xf32, #tpu.memory_space<hbm>>) target_semaphore(%run_scoped3A : memref<!tpu.dma_semaphore, #tpu.memory_space<semaphore_mem>>)
      %dma_wait3A = arith.constant 0 : i32
      %dma_wait3A_11 = tpu.memref_slice %arg5[%arg0, %mul3A_0, %dma_wait3A] : memref<2x10112x128xf32, #tpu.memory_space<hbm>> -> memref<1x632x128xf32, #tpu.memory_space<hbm>>
      %dma_wait3A_12 = tpu.memref_squeeze %dma_wait3A_11 : memref<1x632x128xf32, #tpu.memory_space<hbm>> -> memref<632x128xf32, #tpu.memory_space<hbm>>
      %dma_wait3A_13 = arith.constant 0 : i32
      %dma_wait3A_14 = tpu.memref_slice %arg6[%mul3A_0, %dma_wait3A_13] : memref<10112x128xf32, #tpu.memory_space<vmem_shared>> -> memref<632x128xf32, #tpu.memory_space<vmem_shared>>
      tpu.wait_dma2 semaphore(%run_scoped3A : memref<!tpu.dma_semaphore, #tpu.memory_space<semaphore_mem>>) src(%dma_wait3A_14 : memref<632x128xf32, #tpu.memory_space<vmem_shared>>) dst(%dma_wait3A_12 : memref<632x128xf32, #tpu.memory_space<hbm>>)
      tpu.yield
    }) : () -> ()
    return
  }
}

#map = affine_map<(d0, d1) -> (0, 0)>
#map1 = affine_map<(d0, d1) -> (0, 0, 0, 0)>
#map2 = affine_map<(d0, d1) -> (0, 0, 0)>
module attributes {stable_mosaic.version = 14 : i64} {
  func.func @_sc_aggregate(%arg0: i32, %arg1: i32, %arg2: memref<10112x128xf32, #tpu.memory_space<hbm>>, %arg3: memref<2x16x80x128xi32, #tpu.memory_space<hbm>>, %arg4: memref<2x16x80x128xi32, #tpu.memory_space<hbm>>, %arg5: memref<2x10112x128xf32, #tpu.memory_space<hbm>>, %arg6: memref<10112x128xf32, #tpu.memory_space<vmem_shared>>, %arg7: memref<40x128xi32, #tpu.memory_space<vmem>>, %arg8: memref<40x128xi32, #tpu.memory_space<vmem>>, %arg9: memref<128x128xf32, #tpu.memory_space<vmem>>, %arg10: memref<128x128xf32, #tpu.memory_space<vmem>>, %arg11: memref<!tpu.dma_semaphore, #tpu.memory_space<semaphore_mem>>, %arg12: memref<!tpu.dma_semaphore, #tpu.memory_space<semaphore_mem>>, %arg13: memref<!tpu.dma_semaphore, #tpu.memory_space<semaphore_mem>>, %arg14: memref<!tpu.dma_semaphore, #tpu.memory_space<semaphore_mem>>) attributes {dimension_semantics = [#tpu.dimension_semantics<core_parallel>, #tpu.dimension_semantics<subcore_parallel>], iteration_bounds = array<i64: 2, 16>, scalar_prefetch = 0 : i64, scratch_operands = 9 : i64, tpu.core_type = #tpu.core_type<sc_vector_subcore>, window_params = [{transform_indices = #map}, {transform_indices = #map1}, {transform_indices = #map1}, {transform_indices = #map2}]} {
    %mul3A = arith.constant 632 : i32
    %mul3A_0 = arith.muli %arg1, %mul3A : i32
    "tpu.region"() ({
      %run_scoped3A = tpu.sem_alloc : memref<!tpu.dma_semaphore, #tpu.memory_space<semaphore_mem>>
      %dma_start3A = arith.constant 0 : i32
      %dma_start3A_7 = tpu.memref_slice %arg6[%mul3A_0, %dma_start3A] : memref<10112x128xf32, #tpu.memory_space<vmem_shared>> -> memref<632x128xf32, #tpu.memory_space<vmem_shared>>
      %dma_start3A_8 = arith.constant 0 : i32
      %dma_start3A_9 = tpu.memref_slice %arg2[%mul3A_0, %dma_start3A_8] : memref<10112x128xf32, #tpu.memory_space<hbm>> -> memref<632x128xf32, #tpu.memory_space<hbm>>
      tpu.enqueue_dma source(%dma_start3A_9 : memref<632x128xf32, #tpu.memory_space<hbm>>) target(%dma_start3A_7 : memref<632x128xf32, #tpu.memory_space<vmem_shared>>) target_semaphore(%run_scoped3A : memref<!tpu.dma_semaphore, #tpu.memory_space<semaphore_mem>>)
      %dma_wait3A = arith.constant 0 : i32
      %dma_wait3A_10 = tpu.memref_slice %arg6[%mul3A_0, %dma_wait3A] : memref<10112x128xf32, #tpu.memory_space<vmem_shared>> -> memref<632x128xf32, #tpu.memory_space<vmem_shared>>
      %dma_wait3A_11 = arith.constant 0 : i32
      %dma_wait3A_12 = tpu.memref_slice %arg2[%mul3A_0, %dma_wait3A_11] : memref<10112x128xf32, #tpu.memory_space<hbm>> -> memref<632x128xf32, #tpu.memory_space<hbm>>
      tpu.wait_dma2 semaphore(%run_scoped3A : memref<!tpu.dma_semaphore, #tpu.memory_space<semaphore_mem>>) src(%dma_wait3A_12 : memref<632x128xf32, #tpu.memory_space<hbm>>) dst(%dma_wait3A_10 : memref<632x128xf32, #tpu.memory_space<vmem_shared>>)
      tpu.yield
    }) : () -> ()
    %barrier3A = arith.constant 0 : index
    tpu.barrier barrier_id(%barrier3A)
    %scan3A = arith.constant 0 : i32
    %scan3A_1 = arith.constant 0 : i32
    %scan3A_2 = arith.constant 2 : i32
    %scan3A_3 = arith.addi %scan3A_1, %scan3A_2 : i32
    %scan3A_4 = arith.constant 1 : i32
    scf.for %scan3A_7 = %scan3A_1 to %scan3A_3 step %scan3A_4  : i32 {
      %mul3A_8 = arith.constant 40 : i32
      %mul3A_9 = arith.muli %scan3A_7, %mul3A_8 : i32
      "tpu.region"() ({
        %run_scoped3A_44 = tpu.sem_alloc : memref<!tpu.dma_semaphore, #tpu.memory_space<semaphore_mem>>
        %dma_start3A_45 = arith.constant 0 : i32
        %dma_start3A_46 = tpu.memref_slice %arg3[%arg0, %arg1, %mul3A_9, %dma_start3A_45] : memref<2x16x80x128xi32, #tpu.memory_space<hbm>> -> memref<1x1x40x128xi32, #tpu.memory_space<hbm>>
        %dma_start3A_47 = tpu.memref_squeeze %dma_start3A_46 : memref<1x1x40x128xi32, #tpu.memory_space<hbm>> -> memref<40x128xi32, #tpu.memory_space<hbm>>
        %dma_start3A_48 = arith.constant 0 : i32
        %dma_start3A_49 = tpu.memref_slice %arg3[%arg0, %arg1, %mul3A_9, %dma_start3A_48] : memref<2x16x80x128xi32, #tpu.memory_space<hbm>> -> memref<1x1x40x128xi32, #tpu.memory_space<hbm>>
        %dma_start3A_50 = tpu.memref_squeeze %dma_start3A_49 : memref<1x1x40x128xi32, #tpu.memory_space<hbm>> -> memref<40x128xi32, #tpu.memory_space<hbm>>
        tpu.enqueue_dma source(%dma_start3A_50 : memref<40x128xi32, #tpu.memory_space<hbm>>) target(%arg7 : memref<40x128xi32, #tpu.memory_space<vmem>>) target_semaphore(%run_scoped3A_44 : memref<!tpu.dma_semaphore, #tpu.memory_space<semaphore_mem>>)
        %dma_wait3A_51 = arith.constant 0 : i32
        %dma_wait3A_52 = tpu.memref_slice %arg3[%arg0, %arg1, %mul3A_9, %dma_wait3A_51] : memref<2x16x80x128xi32, #tpu.memory_space<hbm>> -> memref<1x1x40x128xi32, #tpu.memory_space<hbm>>
        %dma_wait3A_53 = tpu.memref_squeeze %dma_wait3A_52 : memref<1x1x40x128xi32, #tpu.memory_space<hbm>> -> memref<40x128xi32, #tpu.memory_space<hbm>>
        %dma_wait3A_54 = arith.constant 0 : i32
        %dma_wait3A_55 = tpu.memref_slice %arg3[%arg0, %arg1, %mul3A_9, %dma_wait3A_54] : memref<2x16x80x128xi32, #tpu.memory_space<hbm>> -> memref<1x1x40x128xi32, #tpu.memory_space<hbm>>
        %dma_wait3A_56 = tpu.memref_squeeze %dma_wait3A_55 : memref<1x1x40x128xi32, #tpu.memory_space<hbm>> -> memref<40x128xi32, #tpu.memory_space<hbm>>
        tpu.wait_dma2 semaphore(%run_scoped3A_44 : memref<!tpu.dma_semaphore, #tpu.memory_space<semaphore_mem>>) src(%dma_wait3A_56 : memref<40x128xi32, #tpu.memory_space<hbm>>) dst(%arg7 : memref<40x128xi32, #tpu.memory_space<vmem>>)
        tpu.yield
      }) : () -> ()
      %mul3A_10 = arith.constant 40 : i32
      %mul3A_11 = arith.muli %scan3A_7, %mul3A_10 : i32
      "tpu.region"() ({
        %run_scoped3A_44 = tpu.sem_alloc : memref<!tpu.dma_semaphore, #tpu.memory_space<semaphore_mem>>
        %dma_start3A_45 = arith.constant 0 : i32
        %dma_start3A_46 = tpu.memref_slice %arg4[%arg0, %arg1, %mul3A_11, %dma_start3A_45] : memref<2x16x80x128xi32, #tpu.memory_space<hbm>> -> memref<1x1x40x128xi32, #tpu.memory_space<hbm>>
        %dma_start3A_47 = tpu.memref_squeeze %dma_start3A_46 : memref<1x1x40x128xi32, #tpu.memory_space<hbm>> -> memref<40x128xi32, #tpu.memory_space<hbm>>
        %dma_start3A_48 = arith.constant 0 : i32
        %dma_start3A_49 = tpu.memref_slice %arg4[%arg0, %arg1, %mul3A_11, %dma_start3A_48] : memref<2x16x80x128xi32, #tpu.memory_space<hbm>> -> memref<1x1x40x128xi32, #tpu.memory_space<hbm>>
        %dma_start3A_50 = tpu.memref_squeeze %dma_start3A_49 : memref<1x1x40x128xi32, #tpu.memory_space<hbm>> -> memref<40x128xi32, #tpu.memory_space<hbm>>
        tpu.enqueue_dma source(%dma_start3A_50 : memref<40x128xi32, #tpu.memory_space<hbm>>) target(%arg8 : memref<40x128xi32, #tpu.memory_space<vmem>>) target_semaphore(%run_scoped3A_44 : memref<!tpu.dma_semaphore, #tpu.memory_space<semaphore_mem>>)
        %dma_wait3A_51 = arith.constant 0 : i32
        %dma_wait3A_52 = tpu.memref_slice %arg4[%arg0, %arg1, %mul3A_11, %dma_wait3A_51] : memref<2x16x80x128xi32, #tpu.memory_space<hbm>> -> memref<1x1x40x128xi32, #tpu.memory_space<hbm>>
        %dma_wait3A_53 = tpu.memref_squeeze %dma_wait3A_52 : memref<1x1x40x128xi32, #tpu.memory_space<hbm>> -> memref<40x128xi32, #tpu.memory_space<hbm>>
        %dma_wait3A_54 = arith.constant 0 : i32
        %dma_wait3A_55 = tpu.memref_slice %arg4[%arg0, %arg1, %mul3A_11, %dma_wait3A_54] : memref<2x16x80x128xi32, #tpu.memory_space<hbm>> -> memref<1x1x40x128xi32, #tpu.memory_space<hbm>>
        %dma_wait3A_56 = tpu.memref_squeeze %dma_wait3A_55 : memref<1x1x40x128xi32, #tpu.memory_space<hbm>> -> memref<40x128xi32, #tpu.memory_space<hbm>>
        tpu.wait_dma2 semaphore(%run_scoped3A_44 : memref<!tpu.dma_semaphore, #tpu.memory_space<semaphore_mem>>) src(%dma_wait3A_56 : memref<40x128xi32, #tpu.memory_space<hbm>>) dst(%arg8 : memref<40x128xi32, #tpu.memory_space<vmem>>)
        tpu.yield
      }) : () -> ()
      %dma_start3A = arith.constant 0 : i32
      %dma_start3A_12 = arith.constant 0 : i32
      %dma_start3A_13 = tpu.memref_slice %arg7[%dma_start3A, %dma_start3A_12] : memref<40x128xi32, #tpu.memory_space<vmem>> -> memref<1x128xi32, #tpu.memory_space<vmem>>
      %dma_start3A_14 = tpu.memref_squeeze %dma_start3A_13 : memref<1x128xi32, #tpu.memory_space<vmem>> -> memref<128xi32, #tpu.memory_space<vmem>>
      %dma_start3A_15 = arith.constant 0 : i32
      %dma_start3A_16 = arith.constant 0 : i32
      %dma_start3A_17 = tpu.memref_slice %arg2[%dma_start3A_15, %dma_start3A_16] : memref<10112x128xf32, #tpu.memory_space<hbm>> -> memref<10112x128xf32, #tpu.memory_space<hbm>>
      tpu.enqueue_indirect_dma source(%dma_start3A_17 : memref<10112x128xf32, #tpu.memory_space<hbm>>) target(%arg9 : memref<128x128xf32, #tpu.memory_space<vmem>>) offsets(%dma_start3A_14 : memref<128xi32, #tpu.memory_space<vmem>>) semaphore(%arg11 : memref<!tpu.dma_semaphore, #tpu.memory_space<semaphore_mem>>)
      %dma_start3A_18 = arith.constant 1 : i32
      %dma_start3A_19 = arith.constant 0 : i32
      %dma_start3A_20 = tpu.memref_slice %arg7[%dma_start3A_18, %dma_start3A_19] : memref<40x128xi32, #tpu.memory_space<vmem>> -> memref<1x128xi32, #tpu.memory_space<vmem>>
      %dma_start3A_21 = tpu.memref_squeeze %dma_start3A_20 : memref<1x128xi32, #tpu.memory_space<vmem>> -> memref<128xi32, #tpu.memory_space<vmem>>
      %dma_start3A_22 = arith.constant 0 : i32
      %dma_start3A_23 = arith.constant 0 : i32
      %dma_start3A_24 = tpu.memref_slice %arg2[%dma_start3A_22, %dma_start3A_23] : memref<10112x128xf32, #tpu.memory_space<hbm>> -> memref<10112x128xf32, #tpu.memory_space<hbm>>
      tpu.enqueue_indirect_dma source(%dma_start3A_24 : memref<10112x128xf32, #tpu.memory_space<hbm>>) target(%arg10 : memref<128x128xf32, #tpu.memory_space<vmem>>) offsets(%dma_start3A_21 : memref<128xi32, #tpu.memory_space<vmem>>) semaphore(%arg12 : memref<!tpu.dma_semaphore, #tpu.memory_space<semaphore_mem>>)
      %scan3A_25 = arith.constant 0 : i32
      %scan3A_26 = arith.constant 19 : i32
      %scan3A_27 = arith.addi %scan3A_25, %scan3A_26 : i32
      %scan3A_28 = arith.constant 1 : i32
      scf.for %scan3A_44 = %scan3A_25 to %scan3A_27 step %scan3A_28  : i32 {
        %mul3A_45 = arith.constant 2 : i32
        %mul3A_46 = arith.muli %mul3A_45, %scan3A_44 : i32
        %dma_wait3A_47 = arith.constant 0 : i32
        %dma_wait3A_48 = tpu.memref_slice %arg7[%mul3A_46, %dma_wait3A_47] : memref<40x128xi32, #tpu.memory_space<vmem>> -> memref<1x128xi32, #tpu.memory_space<vmem>>
        %dma_wait3A_49 = tpu.memref_squeeze %dma_wait3A_48 : memref<1x128xi32, #tpu.memory_space<vmem>> -> memref<128xi32, #tpu.memory_space<vmem>>
        %dma_wait3A_50 = arith.constant 0 : i32
        %dma_wait3A_51 = arith.constant 0 : i32
        %dma_wait3A_52 = tpu.memref_slice %arg2[%dma_wait3A_50, %dma_wait3A_51] : memref<10112x128xf32, #tpu.memory_space<hbm>> -> memref<10112x128xf32, #tpu.memory_space<hbm>>
        tpu.wait_indirect_dma semaphore(%arg11 : memref<!tpu.dma_semaphore, #tpu.memory_space<semaphore_mem>>) src(%dma_wait3A_52 : memref<10112x128xf32, #tpu.memory_space<hbm>>) dst(%arg9 : memref<128x128xf32, #tpu.memory_space<vmem>>)
        %add3A = arith.constant 2 : i32
        %add3A_53 = arith.addi %mul3A_46, %add3A : i32
        %dma_start3A_54 = arith.constant 0 : i32
        %dma_start3A_55 = tpu.memref_slice %arg7[%add3A_53, %dma_start3A_54] : memref<40x128xi32, #tpu.memory_space<vmem>> -> memref<1x128xi32, #tpu.memory_space<vmem>>
        %dma_start3A_56 = tpu.memref_squeeze %dma_start3A_55 : memref<1x128xi32, #tpu.memory_space<vmem>> -> memref<128xi32, #tpu.memory_space<vmem>>
        %dma_start3A_57 = arith.constant 0 : i32
        %dma_start3A_58 = arith.constant 0 : i32
        %dma_start3A_59 = tpu.memref_slice %arg2[%dma_start3A_57, %dma_start3A_58] : memref<10112x128xf32, #tpu.memory_space<hbm>> -> memref<10112x128xf32, #tpu.memory_space<hbm>>
        tpu.enqueue_indirect_dma source(%dma_start3A_59 : memref<10112x128xf32, #tpu.memory_space<hbm>>) target(%arg9 : memref<128x128xf32, #tpu.memory_space<vmem>>) offsets(%dma_start3A_56 : memref<128xi32, #tpu.memory_space<vmem>>) semaphore(%arg11 : memref<!tpu.dma_semaphore, #tpu.memory_space<semaphore_mem>>)
        %add3A_60 = arith.constant 1 : i32
        %add3A_61 = arith.addi %mul3A_46, %add3A_60 : i32
        %dma_wait3A_62 = arith.constant 0 : i32
        %dma_wait3A_63 = tpu.memref_slice %arg7[%add3A_61, %dma_wait3A_62] : memref<40x128xi32, #tpu.memory_space<vmem>> -> memref<1x128xi32, #tpu.memory_space<vmem>>
        %dma_wait3A_64 = tpu.memref_squeeze %dma_wait3A_63 : memref<1x128xi32, #tpu.memory_space<vmem>> -> memref<128xi32, #tpu.memory_space<vmem>>
        %dma_wait3A_65 = arith.constant 0 : i32
        %dma_wait3A_66 = arith.constant 0 : i32
        %dma_wait3A_67 = tpu.memref_slice %arg2[%dma_wait3A_65, %dma_wait3A_66] : memref<10112x128xf32, #tpu.memory_space<hbm>> -> memref<10112x128xf32, #tpu.memory_space<hbm>>
        tpu.wait_indirect_dma semaphore(%arg12 : memref<!tpu.dma_semaphore, #tpu.memory_space<semaphore_mem>>) src(%dma_wait3A_67 : memref<10112x128xf32, #tpu.memory_space<hbm>>) dst(%arg10 : memref<128x128xf32, #tpu.memory_space<vmem>>)
        %add3A_68 = arith.constant 3 : i32
        %add3A_69 = arith.addi %mul3A_46, %add3A_68 : i32
        %dma_start3A_70 = arith.constant 0 : i32
        %dma_start3A_71 = tpu.memref_slice %arg7[%add3A_69, %dma_start3A_70] : memref<40x128xi32, #tpu.memory_space<vmem>> -> memref<1x128xi32, #tpu.memory_space<vmem>>
        %dma_start3A_72 = tpu.memref_squeeze %dma_start3A_71 : memref<1x128xi32, #tpu.memory_space<vmem>> -> memref<128xi32, #tpu.memory_space<vmem>>
        %dma_start3A_73 = arith.constant 0 : i32
        %dma_start3A_74 = arith.constant 0 : i32
        %dma_start3A_75 = tpu.memref_slice %arg2[%dma_start3A_73, %dma_start3A_74] : memref<10112x128xf32, #tpu.memory_space<hbm>> -> memref<10112x128xf32, #tpu.memory_space<hbm>>
        tpu.enqueue_indirect_dma source(%dma_start3A_75 : memref<10112x128xf32, #tpu.memory_space<hbm>>) target(%arg10 : memref<128x128xf32, #tpu.memory_space<vmem>>) offsets(%dma_start3A_72 : memref<128xi32, #tpu.memory_space<vmem>>) semaphore(%arg12 : memref<!tpu.dma_semaphore, #tpu.memory_space<semaphore_mem>>)
      }
      %scan3A_29 = arith.constant 19 : i32
      %dma_wait3A = arith.constant 38 : i32
      %dma_wait3A_30 = arith.constant 0 : i32
      %dma_wait3A_31 = tpu.memref_slice %arg7[%dma_wait3A, %dma_wait3A_30] : memref<40x128xi32, #tpu.memory_space<vmem>> -> memref<1x128xi32, #tpu.memory_space<vmem>>
      %dma_wait3A_32 = tpu.memref_squeeze %dma_wait3A_31 : memref<1x128xi32, #tpu.memory_space<vmem>> -> memref<128xi32, #tpu.memory_space<vmem>>
      %dma_wait3A_33 = arith.constant 0 : i32
      %dma_wait3A_34 = arith.constant 0 : i32
      %dma_wait3A_35 = tpu.memref_slice %arg2[%dma_wait3A_33, %dma_wait3A_34] : memref<10112x128xf32, #tpu.memory_space<hbm>> -> memref<10112x128xf32, #tpu.memory_space<hbm>>
      tpu.wait_indirect_dma semaphore(%arg11 : memref<!tpu.dma_semaphore, #tpu.memory_space<semaphore_mem>>) src(%dma_wait3A_35 : memref<10112x128xf32, #tpu.memory_space<hbm>>) dst(%arg9 : memref<128x128xf32, #tpu.memory_space<vmem>>)
      %run_scoped3A = arith.constant 38 : i32
      "tpu.region"() ({
        %run_scoped3A_44 = tpu.sem_alloc : memref<!tpu.dma_semaphore, #tpu.memory_space<semaphore_mem>>
        %dma_start3A_45 = arith.constant 0 : i32
        %dma_start3A_46 = tpu.memref_slice %arg8[%run_scoped3A, %dma_start3A_45] : memref<40x128xi32, #tpu.memory_space<vmem>> -> memref<1x128xi32, #tpu.memory_space<vmem>>
        %dma_start3A_47 = tpu.memref_squeeze %dma_start3A_46 : memref<1x128xi32, #tpu.memory_space<vmem>> -> memref<128xi32, #tpu.memory_space<vmem>>
        %dma_start3A_48 = arith.constant 0 : i32
        %dma_start3A_49 = arith.constant 0 : i32
        %dma_start3A_50 = tpu.memref_slice %arg6[%dma_start3A_48, %dma_start3A_49] : memref<10112x128xf32, #tpu.memory_space<vmem_shared>> -> memref<10112x128xf32, #tpu.memory_space<vmem_shared>>
        tpu.enqueue_indirect_dma source(%arg9 : memref<128x128xf32, #tpu.memory_space<vmem>>) target(%dma_start3A_50 : memref<10112x128xf32, #tpu.memory_space<vmem_shared>>) offsets(%dma_start3A_47 : memref<128xi32, #tpu.memory_space<vmem>>) semaphore(%run_scoped3A_44 : memref<!tpu.dma_semaphore, #tpu.memory_space<semaphore_mem>>) {add = true}
        %dma_wait3A_51 = arith.constant 0 : i32
        %dma_wait3A_52 = tpu.memref_slice %arg8[%run_scoped3A, %dma_wait3A_51] : memref<40x128xi32, #tpu.memory_space<vmem>> -> memref<1x128xi32, #tpu.memory_space<vmem>>
        %dma_wait3A_53 = tpu.memref_squeeze %dma_wait3A_52 : memref<1x128xi32, #tpu.memory_space<vmem>> -> memref<128xi32, #tpu.memory_space<vmem>>
        %dma_wait3A_54 = arith.constant 0 : i32
        %dma_wait3A_55 = arith.constant 0 : i32
        %dma_wait3A_56 = tpu.memref_slice %arg6[%dma_wait3A_54, %dma_wait3A_55] : memref<10112x128xf32, #tpu.memory_space<vmem_shared>> -> memref<10112x128xf32, #tpu.memory_space<vmem_shared>>
        tpu.wait_indirect_dma semaphore(%run_scoped3A_44 : memref<!tpu.dma_semaphore, #tpu.memory_space<semaphore_mem>>) src(%arg9 : memref<128x128xf32, #tpu.memory_space<vmem>>) dst(%dma_wait3A_56 : memref<10112x128xf32, #tpu.memory_space<vmem_shared>>)
        tpu.yield
      }) : () -> ()
      %dma_wait3A_36 = arith.constant 39 : i32
      %dma_wait3A_37 = arith.constant 0 : i32
      %dma_wait3A_38 = tpu.memref_slice %arg7[%dma_wait3A_36, %dma_wait3A_37] : memref<40x128xi32, #tpu.memory_space<vmem>> -> memref<1x128xi32, #tpu.memory_space<vmem>>
      %dma_wait3A_39 = tpu.memref_squeeze %dma_wait3A_38 : memref<1x128xi32, #tpu.memory_space<vmem>> -> memref<128xi32, #tpu.memory_space<vmem>>
      %dma_wait3A_40 = arith.constant 0 : i32
      %dma_wait3A_41 = arith.constant 0 : i32
      %dma_wait3A_42 = tpu.memref_slice %arg2[%dma_wait3A_40, %dma_wait3A_41] : memref<10112x128xf32, #tpu.memory_space<hbm>> -> memref<10112x128xf32, #tpu.memory_space<hbm>>
      tpu.wait_indirect_dma semaphore(%arg12 : memref<!tpu.dma_semaphore, #tpu.memory_space<semaphore_mem>>) src(%dma_wait3A_42 : memref<10112x128xf32, #tpu.memory_space<hbm>>) dst(%arg10 : memref<128x128xf32, #tpu.memory_space<vmem>>)
      %run_scoped3A_43 = arith.constant 39 : i32
      "tpu.region"() ({
        %run_scoped3A_44 = tpu.sem_alloc : memref<!tpu.dma_semaphore, #tpu.memory_space<semaphore_mem>>
        %dma_start3A_45 = arith.constant 0 : i32
        %dma_start3A_46 = tpu.memref_slice %arg8[%run_scoped3A_43, %dma_start3A_45] : memref<40x128xi32, #tpu.memory_space<vmem>> -> memref<1x128xi32, #tpu.memory_space<vmem>>
        %dma_start3A_47 = tpu.memref_squeeze %dma_start3A_46 : memref<1x128xi32, #tpu.memory_space<vmem>> -> memref<128xi32, #tpu.memory_space<vmem>>
        %dma_start3A_48 = arith.constant 0 : i32
        %dma_start3A_49 = arith.constant 0 : i32
        %dma_start3A_50 = tpu.memref_slice %arg6[%dma_start3A_48, %dma_start3A_49] : memref<10112x128xf32, #tpu.memory_space<vmem_shared>> -> memref<10112x128xf32, #tpu.memory_space<vmem_shared>>
        tpu.enqueue_indirect_dma source(%arg10 : memref<128x128xf32, #tpu.memory_space<vmem>>) target(%dma_start3A_50 : memref<10112x128xf32, #tpu.memory_space<vmem_shared>>) offsets(%dma_start3A_47 : memref<128xi32, #tpu.memory_space<vmem>>) semaphore(%run_scoped3A_44 : memref<!tpu.dma_semaphore, #tpu.memory_space<semaphore_mem>>) {add = true}
        %dma_wait3A_51 = arith.constant 0 : i32
        %dma_wait3A_52 = tpu.memref_slice %arg8[%run_scoped3A_43, %dma_wait3A_51] : memref<40x128xi32, #tpu.memory_space<vmem>> -> memref<1x128xi32, #tpu.memory_space<vmem>>
        %dma_wait3A_53 = tpu.memref_squeeze %dma_wait3A_52 : memref<1x128xi32, #tpu.memory_space<vmem>> -> memref<128xi32, #tpu.memory_space<vmem>>
        %dma_wait3A_54 = arith.constant 0 : i32
        %dma_wait3A_55 = arith.constant 0 : i32
        %dma_wait3A_56 = tpu.memref_slice %arg6[%dma_wait3A_54, %dma_wait3A_55] : memref<10112x128xf32, #tpu.memory_space<vmem_shared>> -> memref<10112x128xf32, #tpu.memory_space<vmem_shared>>
        tpu.wait_indirect_dma semaphore(%run_scoped3A_44 : memref<!tpu.dma_semaphore, #tpu.memory_space<semaphore_mem>>) src(%arg10 : memref<128x128xf32, #tpu.memory_space<vmem>>) dst(%dma_wait3A_56 : memref<10112x128xf32, #tpu.memory_space<vmem_shared>>)
        tpu.yield
      }) : () -> ()
    }
    %scan3A_5 = arith.constant 2 : i32
    %barrier3A_6 = arith.constant 0 : index
    tpu.barrier barrier_id(%barrier3A_6)
    "tpu.region"() ({
      %run_scoped3A = tpu.sem_alloc : memref<!tpu.dma_semaphore, #tpu.memory_space<semaphore_mem>>
      %dma_start3A = arith.constant 0 : i32
      %dma_start3A_7 = tpu.memref_slice %arg5[%arg0, %mul3A_0, %dma_start3A] : memref<2x10112x128xf32, #tpu.memory_space<hbm>> -> memref<1x632x128xf32, #tpu.memory_space<hbm>>
      %dma_start3A_8 = tpu.memref_squeeze %dma_start3A_7 : memref<1x632x128xf32, #tpu.memory_space<hbm>> -> memref<632x128xf32, #tpu.memory_space<hbm>>
      %dma_start3A_9 = arith.constant 0 : i32
      %dma_start3A_10 = tpu.memref_slice %arg6[%mul3A_0, %dma_start3A_9] : memref<10112x128xf32, #tpu.memory_space<vmem_shared>> -> memref<632x128xf32, #tpu.memory_space<vmem_shared>>
      tpu.enqueue_dma source(%dma_start3A_10 : memref<632x128xf32, #tpu.memory_space<vmem_shared>>) target(%dma_start3A_8 : memref<632x128xf32, #tpu.memory_space<hbm>>) target_semaphore(%run_scoped3A : memref<!tpu.dma_semaphore, #tpu.memory_space<semaphore_mem>>)
      %dma_wait3A = arith.constant 0 : i32
      %dma_wait3A_11 = tpu.memref_slice %arg5[%arg0, %mul3A_0, %dma_wait3A] : memref<2x10112x128xf32, #tpu.memory_space<hbm>> -> memref<1x632x128xf32, #tpu.memory_space<hbm>>
      %dma_wait3A_12 = tpu.memref_squeeze %dma_wait3A_11 : memref<1x632x128xf32, #tpu.memory_space<hbm>> -> memref<632x128xf32, #tpu.memory_space<hbm>>
      %dma_wait3A_13 = arith.constant 0 : i32
      %dma_wait3A_14 = tpu.memref_slice %arg6[%mul3A_0, %dma_wait3A_13] : memref<10112x128xf32, #tpu.memory_space<vmem_shared>> -> memref<632x128xf32, #tpu.memory_space<vmem_shared>>
      tpu.wait_dma2 semaphore(%run_scoped3A : memref<!tpu.dma_semaphore, #tpu.memory_space<semaphore_mem>>) src(%dma_wait3A_14 : memref<632x128xf32, #tpu.memory_space<vmem_shared>>) dst(%dma_wait3A_12 : memref<632x128xf32, #tpu.memory_space<hbm>>)
      tpu.yield
    }) : () -> ()
    return
  }
}

module attributes {stable_mosaic.version = 14 : i64} {
  func.func @_mlp_body(%arg0: memref<2x10112x128xf32, #tpu.memory_space<vmem>>, %arg1: memref<10112x128xf32, #tpu.memory_space<vmem>>, %arg2: memref<128x128xf32, #tpu.memory_space<vmem>>, %arg3: memref<1x128xf32, #tpu.memory_space<vmem>>, %arg4: memref<128x128xf32, #tpu.memory_space<vmem>>, %arg5: memref<1x128xf32, #tpu.memory_space<vmem>>, %arg6: memref<1x128xf32, #tpu.memory_space<vmem>>, %arg7: memref<10112x128xf32, #tpu.memory_space<vmem>>) attributes {dimension_semantics = [], scalar_prefetch = 0 : i64, scratch_operands = 0 : i64, tpu.core_type = #tpu.core_type<tc>} {
    %get3A = arith.constant 0 : index
    %get3A_0 = arith.constant 0 : index
    %get3A_1 = arith.constant 0 : index
    %get3A_2 = vector.load %arg0[%get3A, %get3A_0, %get3A_1] : memref<2x10112x128xf32, #tpu.memory_space<vmem>>, vector<1x10112x128xf32>
    %get3A_3 = vector.shape_cast %get3A_2 : vector<1x10112x128xf32> to vector<10112x128xf32>
    %get3A_4 = arith.constant 1 : index
    %get3A_5 = arith.constant 0 : index
    %get3A_6 = arith.constant 0 : index
    %get3A_7 = vector.load %arg0[%get3A_4, %get3A_5, %get3A_6] : memref<2x10112x128xf32, #tpu.memory_space<vmem>>, vector<1x10112x128xf32>
    %get3A_8 = vector.shape_cast %get3A_7 : vector<1x10112x128xf32> to vector<10112x128xf32>
    %add3A = arith.addf %get3A_3, %get3A_8 : vector<10112x128xf32>
    %get3A_9 = arith.constant 0 : index
    %get3A_10 = arith.constant 0 : index
    %get3A_11 = vector.load %arg1[%get3A_9, %get3A_10] : memref<10112x128xf32, #tpu.memory_space<vmem>>, vector<10112x128xf32>
    %sub3A = arith.subf %add3A, %get3A_11 : vector<10112x128xf32>
    %get3A_12 = arith.constant 0 : index
    %get3A_13 = arith.constant 0 : index
    %get3A_14 = vector.load %arg2[%get3A_12, %get3A_13] : memref<128x128xf32, #tpu.memory_space<vmem>>, vector<128x128xf32>
    %dot_general3A = arith.constant dense<0.000000e+00> : vector<10112x128xf32>
    %dot_general3A_15 = tpu.matmul %sub3A, %get3A_14, %dot_general3A {dimension_numbers = #tpu.dot_dimension_numbers<[1], [0], [0], [1], [0, 0, 1, 1], [], []>, transpose_lhs_hint = false} : vector<10112x128xf32>, vector<128x128xf32>, vector<10112x128xf32> -> vector<10112x128xf32>
    %get3A_16 = arith.constant 0 : index
    %get3A_17 = arith.constant 0 : index
    %get3A_18 = vector.load %arg3[%get3A_16, %get3A_17] : memref<1x128xf32, #tpu.memory_space<vmem>>, vector<1x128xf32>
    %add3A_19 = vector.broadcast %get3A_18 : vector<1x128xf32> to vector<10112x128xf32>
    %add3A_20 = arith.addf %dot_general3A_15, %add3A_19 : vector<10112x128xf32>
    %max3A = arith.constant 0.000000e+00 : f32
    %max3A_21 = vector.broadcast %max3A : f32 to vector<10112x128xf32>
    %max3A_22 = arith.maximumf %add3A_20, %max3A_21 : vector<10112x128xf32>
    %get3A_23 = arith.constant 0 : index
    %get3A_24 = arith.constant 0 : index
    %get3A_25 = vector.load %arg4[%get3A_23, %get3A_24] : memref<128x128xf32, #tpu.memory_space<vmem>>, vector<128x128xf32>
    %dot_general3A_26 = arith.constant dense<0.000000e+00> : vector<10112x128xf32>
    %dot_general3A_27 = tpu.matmul %max3A_22, %get3A_25, %dot_general3A_26 {dimension_numbers = #tpu.dot_dimension_numbers<[1], [0], [0], [1], [0, 0, 1, 1], [], []>, transpose_lhs_hint = false} : vector<10112x128xf32>, vector<128x128xf32>, vector<10112x128xf32> -> vector<10112x128xf32>
    %get3A_28 = arith.constant 0 : index
    %get3A_29 = arith.constant 0 : index
    %get3A_30 = vector.load %arg5[%get3A_28, %get3A_29] : memref<1x128xf32, #tpu.memory_space<vmem>>, vector<1x128xf32>
    %mul3A = vector.broadcast %get3A_30 : vector<1x128xf32> to vector<10112x128xf32>
    %mul3A_31 = arith.mulf %dot_general3A_27, %mul3A : vector<10112x128xf32>
    %get3A_32 = arith.constant 0 : index
    %get3A_33 = arith.constant 0 : index
    %get3A_34 = vector.load %arg6[%get3A_32, %get3A_33] : memref<1x128xf32, #tpu.memory_space<vmem>>, vector<1x128xf32>
    %add3A_35 = vector.broadcast %get3A_34 : vector<1x128xf32> to vector<10112x128xf32>
    %add3A_36 = arith.addf %mul3A_31, %add3A_35 : vector<10112x128xf32>
    %max3A_37 = arith.constant 0.000000e+00 : f32
    %max3A_38 = vector.broadcast %max3A_37 : f32 to vector<10112x128xf32>
    %max3A_39 = arith.maximumf %add3A_36, %max3A_38 : vector<10112x128xf32>
    %swap3A = arith.constant 0 : index
    %swap3A_40 = arith.constant 0 : index
    %swap3A_41 = vector.load %arg7[%swap3A, %swap3A_40] : memref<10112x128xf32, #tpu.memory_space<vmem>>, vector<10112x128xf32>
    tpu.vector_store %arg7[%swap3A, %swap3A_40], %max3A_39 {strides = array<i32>} : memref<10112x128xf32, #tpu.memory_space<vmem>>, vector<10112x128xf32>,
    return
  }
}

module attributes {stable_mosaic.version = 14 : i64} {
  func.func @_final_body(%arg0: memref<2x10112x128xf32, #tpu.memory_space<vmem>>, %arg1: memref<10112x128xf32, #tpu.memory_space<vmem>>, %arg2: memref<128x128xf32, #tpu.memory_space<vmem>>, %arg3: memref<1x128xf32, #tpu.memory_space<vmem>>, %arg4: memref<128x128xf32, #tpu.memory_space<vmem>>, %arg5: memref<1x128xf32, #tpu.memory_space<vmem>>, %arg6: memref<1x128xf32, #tpu.memory_space<vmem>>, %arg7: memref<10112x1xi32, #tpu.memory_space<vmem>>, %arg8: memref<128x10xf32, #tpu.memory_space<vmem>>, %arg9: memref<1x10xf32, #tpu.memory_space<vmem>>, %arg10: memref<64x10xf32, #tpu.memory_space<vmem>>) attributes {dimension_semantics = [], scalar_prefetch = 0 : i64, scratch_operands = 0 : i64, tpu.core_type = #tpu.core_type<tc>} {
    %get3A = arith.constant 0 : index
    %get3A_0 = arith.constant 0 : index
    %get3A_1 = arith.constant 0 : index
    %get3A_2 = vector.load %arg0[%get3A, %get3A_0, %get3A_1] : memref<2x10112x128xf32, #tpu.memory_space<vmem>>, vector<1x10112x128xf32>
    %get3A_3 = vector.shape_cast %get3A_2 : vector<1x10112x128xf32> to vector<10112x128xf32>
    %get3A_4 = arith.constant 1 : index
    %get3A_5 = arith.constant 0 : index
    %get3A_6 = arith.constant 0 : index
    %get3A_7 = vector.load %arg0[%get3A_4, %get3A_5, %get3A_6] : memref<2x10112x128xf32, #tpu.memory_space<vmem>>, vector<1x10112x128xf32>
    %get3A_8 = vector.shape_cast %get3A_7 : vector<1x10112x128xf32> to vector<10112x128xf32>
    %add3A = arith.addf %get3A_3, %get3A_8 : vector<10112x128xf32>
    %get3A_9 = arith.constant 0 : index
    %get3A_10 = arith.constant 0 : index
    %get3A_11 = vector.load %arg1[%get3A_9, %get3A_10] : memref<10112x128xf32, #tpu.memory_space<vmem>>, vector<10112x128xf32>
    %sub3A = arith.subf %add3A, %get3A_11 : vector<10112x128xf32>
    %get3A_12 = arith.constant 0 : index
    %get3A_13 = arith.constant 0 : index
    %get3A_14 = vector.load %arg2[%get3A_12, %get3A_13] : memref<128x128xf32, #tpu.memory_space<vmem>>, vector<128x128xf32>
    %dot_general3A = arith.constant dense<0.000000e+00> : vector<10112x128xf32>
    %dot_general3A_15 = tpu.matmul %sub3A, %get3A_14, %dot_general3A {dimension_numbers = #tpu.dot_dimension_numbers<[1], [0], [0], [1], [0, 0, 1, 1], [], []>, transpose_lhs_hint = false} : vector<10112x128xf32>, vector<128x128xf32>, vector<10112x128xf32> -> vector<10112x128xf32>
    %get3A_16 = arith.constant 0 : index
    %get3A_17 = arith.constant 0 : index
    %get3A_18 = vector.load %arg3[%get3A_16, %get3A_17] : memref<1x128xf32, #tpu.memory_space<vmem>>, vector<1x128xf32>
    %add3A_19 = vector.broadcast %get3A_18 : vector<1x128xf32> to vector<10112x128xf32>
    %add3A_20 = arith.addf %dot_general3A_15, %add3A_19 : vector<10112x128xf32>
    %max3A = arith.constant 0.000000e+00 : f32
    %max3A_21 = vector.broadcast %max3A : f32 to vector<10112x128xf32>
    %max3A_22 = arith.maximumf %add3A_20, %max3A_21 : vector<10112x128xf32>
    %get3A_23 = arith.constant 0 : index
    %get3A_24 = arith.constant 0 : index
    %get3A_25 = vector.load %arg4[%get3A_23, %get3A_24] : memref<128x128xf32, #tpu.memory_space<vmem>>, vector<128x128xf32>
    %dot_general3A_26 = arith.constant dense<0.000000e+00> : vector<10112x128xf32>
    %dot_general3A_27 = tpu.matmul %max3A_22, %get3A_25, %dot_general3A_26 {dimension_numbers = #tpu.dot_dimension_numbers<[1], [0], [0], [1], [0, 0, 1, 1], [], []>, transpose_lhs_hint = false} : vector<10112x128xf32>, vector<128x128xf32>, vector<10112x128xf32> -> vector<10112x128xf32>
    %get3A_28 = arith.constant 0 : index
    %get3A_29 = arith.constant 0 : index
    %get3A_30 = vector.load %arg5[%get3A_28, %get3A_29] : memref<1x128xf32, #tpu.memory_space<vmem>>, vector<1x128xf32>
    %mul3A = vector.broadcast %get3A_30 : vector<1x128xf32> to vector<10112x128xf32>
    %mul3A_31 = arith.mulf %dot_general3A_27, %mul3A : vector<10112x128xf32>
    %get3A_32 = arith.constant 0 : index
    %get3A_33 = arith.constant 0 : index
    %get3A_34 = vector.load %arg6[%get3A_32, %get3A_33] : memref<1x128xf32, #tpu.memory_space<vmem>>, vector<1x128xf32>
    %add3A_35 = vector.broadcast %get3A_34 : vector<1x128xf32> to vector<10112x128xf32>
    %add3A_36 = arith.addf %mul3A_31, %add3A_35 : vector<10112x128xf32>
    %max3A_37 = arith.constant 0.000000e+00 : f32
    %max3A_38 = vector.broadcast %max3A_37 : f32 to vector<10112x128xf32>
    %max3A_39 = arith.maximumf %add3A_36, %max3A_38 : vector<10112x128xf32>
    %iota3A = tpu.iota {dimensions = array<i32: 1>} : vector<10112x64xi32>
    %get3A_40 = arith.constant 0 : index
    %get3A_41 = arith.constant 0 : index
    %get3A_42 = vector.load %arg7[%get3A_40, %get3A_41] : memref<10112x1xi32, #tpu.memory_space<vmem>>, vector<10112x1xi32>
    %eq3A = vector.broadcast %get3A_42 : vector<10112x1xi32> to vector<10112x64xi32>
    %eq3A_43 = arith.cmpi eq, %eq3A, %iota3A : vector<10112x64xi32>
    %convert_element_type3A = arith.extui %eq3A_43 : vector<10112x64xi1> to vector<10112x64xi32>
    %convert_element_type3A_44 = arith.sitofp %convert_element_type3A : vector<10112x64xi32> to vector<10112x64xf32>
    %dot_general3A_45 = arith.constant dense<0.000000e+00> : vector<64x128xf32>
    %dot_general3A_46 = tpu.matmul %convert_element_type3A_44, %max3A_39, %dot_general3A_45 {dimension_numbers = #tpu.dot_dimension_numbers<[0], [0], [1], [1], [0, 1, 1, 1], [], []>, transpose_lhs_hint = false} : vector<10112x64xf32>, vector<10112x128xf32>, vector<64x128xf32> -> vector<64x128xf32>
    %reduce_sum3A = arith.constant dense<0.000000e+00> : vector<64xf32>
    %reduce_sum3A_47 = vector.multi_reduction <add>, %convert_element_type3A_44, %reduce_sum3A [0] : vector<10112x64xf32> to vector<64xf32>
    %reshape3A = vector.shape_cast %reduce_sum3A_47 : vector<64xf32> to vector<64x1xf32>
    %max3A_48 = arith.constant 1.000000e+00 : f32
    %max3A_49 = vector.broadcast %max3A_48 : f32 to vector<64x1xf32>
    %max3A_50 = arith.maximumf %reshape3A, %max3A_49 : vector<64x1xf32>
    %div3A = vector.broadcast %max3A_50 : vector<64x1xf32> to vector<64x128xf32>
    %div3A_51 = arith.divf %dot_general3A_46, %div3A : vector<64x128xf32>
    %get3A_52 = arith.constant 0 : index
    %get3A_53 = arith.constant 0 : index
    %get3A_54 = vector.load %arg8[%get3A_52, %get3A_53] : memref<128x10xf32, #tpu.memory_space<vmem>>, vector<128x10xf32>
    %dot_general3A_55 = arith.constant dense<0.000000e+00> : vector<64x10xf32>
    %dot_general3A_56 = tpu.matmul %div3A_51, %get3A_54, %dot_general3A_55 {dimension_numbers = #tpu.dot_dimension_numbers<[1], [0], [0], [1], [0, 0, 1, 1], [], []>, transpose_lhs_hint = false} : vector<64x128xf32>, vector<128x10xf32>, vector<64x10xf32> -> vector<64x10xf32>
    %get3A_57 = arith.constant 0 : index
    %get3A_58 = arith.constant 0 : index
    %get3A_59 = vector.load %arg9[%get3A_57, %get3A_58] : memref<1x10xf32, #tpu.memory_space<vmem>>, vector<1x10xf32>
    %add3A_60 = vector.broadcast %get3A_59 : vector<1x10xf32> to vector<64x10xf32>
    %add3A_61 = arith.addf %dot_general3A_56, %add3A_60 : vector<64x10xf32>
    %reduce_max3A = arith.constant dense<0xFF800000> : vector<64xf32>
    %reduce_max3A_62 = vector.multi_reduction <maximumf>, %add3A_61, %reduce_max3A [1] : vector<64x10xf32> to vector<64xf32>
    %broadcast_in_dim3A = vector.shape_cast %reduce_max3A_62 : vector<64xf32> to vector<64x1xf32>
    %sub3A_63 = vector.broadcast %broadcast_in_dim3A : vector<64x1xf32> to vector<64x10xf32>
    %sub3A_64 = arith.subf %add3A_61, %sub3A_63 : vector<64x10xf32>
    %exp3A = math.exp %sub3A_64 : vector<64x10xf32>
    %reduce_sum3A_65 = arith.constant dense<0.000000e+00> : vector<64xf32>
    %reduce_sum3A_66 = vector.multi_reduction <add>, %exp3A, %reduce_sum3A_65 [1] : vector<64x10xf32> to vector<64xf32>
    %broadcast_in_dim3A_67 = vector.shape_cast %reduce_sum3A_66 : vector<64xf32> to vector<64x1xf32>
    %log3A = math.log %broadcast_in_dim3A_67 : vector<64x1xf32>
    %add3A_68 = arith.addf %log3A, %broadcast_in_dim3A : vector<64x1xf32>
    %sub3A_69 = vector.broadcast %add3A_68 : vector<64x1xf32> to vector<64x10xf32>
    %sub3A_70 = arith.subf %add3A_61, %sub3A_69 : vector<64x10xf32>
    %swap3A = arith.constant 0 : index
    %swap3A_71 = arith.constant 0 : index
    %swap3A_72 = vector.load %arg10[%swap3A, %swap3A_71] : memref<64x10xf32, #tpu.memory_space<vmem>>, vector<64x10xf32>
    tpu.vector_store %arg10[%swap3A, %swap3A_71], %sub3A_70 {strides = array<i32>} : memref<64x10xf32, #tpu.memory_space<vmem>>, vector<64x10xf32>,
    return
  }
}

</mosaic_0001>

<sc_bundles>
// kernel: kernel.11.cloned.1.call-start
scs
__scs_entry_jumppad:
0x0: {  	(pc) =	sbr.rel $0x88, $3  }
0x1: {  	(tag) =	ssettag $0x0;
	lr =	simm.s32 $0x1  }
0x2: {  	[smem:$0x3F84] =	sst lr;
	_ =	strace $0xD0000000  }
0x3: {  	_ = 	snop  }
0x4: {  	_ = 	snop  }
0x5: {  	_ = 	snop  }
0x6: {  	_ = 	snop  }
0x7: {  	_ = 	snop  }
__scs_overlays_trampoline_lowered:
0x8: {  	[smem:$0x3F93] =	sst s0  }
0x9: {  	[smem:$0x3F94] =	sst s1  }
0xa: {  	[smem:$0x3F95] =	sst s2  }
0xb: {  	[smem:$0x3F96] =	sst s3  }
0xc: {  	[smem:$0x3F97] =	sst s4  }
0xd: {  	[smem:$0x3F98] =	sst s5  }
0xe: {  	[smem:$0x3F99] =	sst s6  }
0xf: {  	[smem:$0x3F9A] =	sst s7  }
0x10: {  	[smem:$0x3F9B] =	sst s8  }
0x11: {  	[smem:$0x3F9C] =	sst s9;
	s0 =	simm.s32 @!p0 $0x0  }
0x12: {  	s1 =	sld [smem:$0x3F82];
	s0 =	simm.s32 @p0 $0x1  }
0x13: {  	[smem:$0x3F9D] =	sst s0;
	s0 =	simm.s32 @!p1 $0x0  }
0x14: {  	s2 =	sld [smem:$0x3F81];
	s0 =	simm.s32 @p1 $0x1  }
0x15: {  	[smem:$0x3F9E] =	sst s0;
	s0 =	simm.s32 @!p2 $0x0  }
0x16: {  	s3 =	sld [smem:$0x3FDB];
	s0 =	simm.s32 @p2 $0x1  }
0x17: {  	s4 =	simm.s32 $0x1BF5;
	[smem:$0x3FA0] =	sst s0  }
0x18: {  	s0 =	sld [smem:$0x3F83];
	_ =	swait.ge [sflag:s4], $0x0  }
0x19: {  	s7 =	sld [smem:$0x3F84]  }
0x1a: {  	s8 =	sadd.s32 $0xFFFFE003, lr  }
0x1b: {  	s9 =	sadd.s32 $0xFFFFFEF7, lr;
	s5 =	simm.s32 $0xFFFFFFFF;
	p2 =	slt.u32 s8, $0xFFFFF086  }
0x1c: {  	p1 =	slt.u32 s9, $0xF7A;
	s5 =	simm.s32 @!p2 $0x0  }
0x1d: {  	s5 =	simm.s32 @p1 $0x1;
	p0 =	seq.s32 s7, s2  }
0x1e: {  	s7 =	smul.u32 @!p0 $0xF7A, s2;
	p2 =	seq.s32 @!p0 s5, $0x0  }
0x1f: {  	s9 =	smul.u32 $0xF7A, s1;
	s8 =	simm.s32 @!p0 $0x1BF5;
	p2 =	por !p2, p0  }
0x20: {  	[sflag:s8] =	ssyncset.s32 @!p0 $0xFFFFF086;
	s6 =	sadd.s32 @!p0 s3, s7;
	s7 =	simm.s32 @!p0 $0x108  }
0x21: {  	s3 =	sadd.s32 s3, s9;
	s6 =	sadd.s32 @!p0 $0x88, s6;
	s7 =	simm.s32 @p2 $0x1082  }
0x22: {  	[simem:s7], [sflag:s8] =	dma.local @!p0 [hbm:s6], $0xF7A  }
0x23: {  	s9 =	sor.u32 $0xD0000000, s2;
	s6 =	simm.s32 $0x108;
	_ =	swait.ge @!p0 [sflag:s8], $0x0  }
0x24: {  	s3 =	sadd.s32 $0x88, s3;
	s6 =	simm.s32 @!p1 $0x1082;
	[sflag:s4] =	ssyncset.s32 $0xFFFFF086  }
0x25: {  	[simem:s6], [sflag:s4] =	dma.local [hbm:s3], $0xF7A  }
0x26: {  	[smem:$0x3F84] =	sst s1;
	(tag) =	ssettag s2;
	_ =	strace s9  }
0x27: {  	s1 =	sld [smem:$0x3F94]  }
0x28: {  	s2 =	sld [smem:$0x3F95]  }
0x29: {  	s4 =	sld [smem:$0x3F97]  }
0x2a: {  	p0 =	seq.s32 s5, $0x0;
	s5 =	sld [smem:$0x3F98]  }
0x2b: {  	s6 =	sld [smem:$0x3F99]  }
0x2c: {  	s7 =	sld [smem:$0x3F9A]  }
0x2d: {  	s3 =	simm.s32 $0x108;
	s8 =	sld [smem:$0x3F9B]  }
0x2e: {  	s3 =	simm.s32 @!p0 $0x1082;
	s9 =	sld [smem:$0x3F9C]  }
0x2f: {  	lr =	sadd.s32 s0, s3;
	s0 =	sld [smem:$0x3F93]  }
0x30: {  	s3 =	sld [smem:$0x3F96]  }
0x31: {  	[smem:$0x3F9F] =	sst s10  }
0x32: {  	s10 =	sld [smem:$0x3F9D];
	_ =	sdelay $0x3  }
0x33: {  	p0 =	seq.s32 s10, $0x1;
	s10 =	sld [smem:$0x3F9F];
	_ =	sdelay $0x3  }
0x34: {  	[smem:$0x3F9F] =	sst s10  }
0x35: {  	s10 =	sld [smem:$0x3F9E];
	_ =	sdelay $0x3  }
0x36: {  	p1 =	seq.s32 s10, $0x1;
	s10 =	sld [smem:$0x3F9F];
	_ =	sdelay $0x3  }
0x37: {  	[smem:$0x3F9F] =	sst s10  }
0x38: {  	s10 =	sld [smem:$0x3FA0]  }
0x39: {  	_ = 	snop;
	(pc) =	sbr.ind lr, $3  }
0x3a: {  	_ = 	snop  }
0x3b: {  	_ = 	snop  }
0x3c: {  	p2 =	seq.s32 s10, $0x1;
	s10 =	sld [smem:$0x3F9F]  }
0x3d: {  	_ =	shalt  }
0x3e: {  	_ =	shalt  }
0x3f: {  	_ =	shalt  }
0x40: {  	_ =	shalt  }
0x41: {  	_ =	shalt  }
0x42: {  	_ =	shalt  }
0x43: {  	_ =	shalt  }
0x44: {  	_ =	shalt  }
0x45: {  	_ =	shalt  }
0x46: {  	_ =	shalt  }
0x47: {  	_ =	shalt  }
0x48: {  	_ =	shalt  }
0x49: {  	_ =	shalt  }
0x4a: {  	_ =	shalt  }
0x4b: {  	_ =	shalt  }
0x4c: {  	_ =	shalt  }
0x4d: {  	_ =	shalt  }
0x4e: {  	_ =	shalt  }
0x4f: {  	_ =	shalt  }
0x50: {  	_ =	shalt  }
0x51: {  	_ =	shalt  }
0x52: {  	_ =	shalt  }
0x53: {  	_ =	shalt  }
0x54: {  	_ =	shalt  }
0x55: {  	_ =	shalt  }
0x56: {  	_ =	shalt  }
0x57: {  	_ =	shalt  }
0x58: {  	_ =	shalt  }
0x59: {  	_ =	shalt  }
0x5a: {  	_ =	shalt  }
0x5b: {  	_ =	shalt  }
0x5c: {  	_ =	shalt  }
0x5d: {  	_ =	shalt  }
0x5e: {  	_ =	shalt  }
0x5f: {  	_ =	shalt  }
0x60: {  	_ =	shalt  }
0x61: {  	_ =	shalt  }
0x62: {  	_ =	shalt  }
0x63: {  	_ =	shalt  }
0x64: {  	_ =	shalt  }
0x65: {  	_ =	shalt  }
0x66: {  	_ =	shalt  }
0x67: {  	_ =	shalt  }
0x68: {  	_ =	shalt  }
0x69: {  	_ =	shalt  }
0x6a: {  	_ =	shalt  }
0x6b: {  	_ =	shalt  }
0x6c: {  	_ =	shalt  }
0x6d: {  	_ =	shalt  }
0x6e: {  	_ =	shalt  }
0x6f: {  	_ =	shalt  }
0x70: {  	_ =	shalt  }
0x71: {  	_ =	shalt  }
0x72: {  	_ =	shalt  }
0x73: {  	_ =	shalt  }
0x74: {  	_ =	shalt  }
0x75: {  	_ =	shalt  }
0x76: {  	_ =	shalt  }
0x77: {  	_ =	shalt  }
0x78: {  	_ =	shalt  }
0x79: {  	_ =	shalt  }
0x7a: {  	_ =	shalt  }
0x7b: {  	_ =	shalt  }
0x7c: {  	_ =	shalt  }
0x7d: {  	_ =	shalt  }
0x7e: {  	_ =	shalt  }
0x7f: {  	_ =	shalt  }
0x80: {  	_ =	shalt  }
0x81: {  	_ =	shalt  }
0x82: {  	_ =	shalt  }
0x83: {  	_ =	shalt  }
0x84: {  	_ =	shalt  }
0x85: {  	_ =	shalt  }
0x86: {  	_ =	shalt  }
0x87: {  	_ =	shalt  }
.Lfunc_end0:
.L_simem_size_0:
called_computation.1_lowered:
.L_overlay_start_0:
0x88: {  	s2 =	sld [smem:$0x3FD9]  }
0x89: {  	s3 =	sld [smem:$0x3FFE];
	_ =	sdelay $0x1  }
0x8a: {  	s1 =	srdreg.scid  }
0x8b: {  	s0 =	sand.u32 $0x1, s1  }
0x8c: {  	s16 =	sshll.u32 s0, $0xA;
	s2 =	sadd.s32 s3, s2  }
0x8d: {  	s2 =	sadd.s32 s2, s16  }
0x8e: {  	[smem:$0x3FAB] =	sst s2  }
0x8f: {  	_ = 	snop  }
0x90: {  	(tm) =	ssettm $0x1  }
0x91: {  	s17 =	sld [smem:$0x3FFB];
	_ =	sdelay $0x3  }
0x92: {  	_ =	strace s17  }
0x93: {  	s2 =	sld [smem:$0x3FFC];
	_ =	sdelay $0x3  }
0x94: {  	_ =	strace s2  }
0x95: {  	s2 =	sld [smem:$0x3FFD];
	_ =	sdelay $0x3  }
0x96: {  	_ =	strace s2  }
0x97: {  	_ =	strace $0x8FFFFFFF  }
0x98: {  	s18 =	sld [smem:$0x3FDB];
	_ =	sdelay $0x1  }
0x99: {  	s19 =	simm.s32 $_scs_section_size  }
0x9a: {  	s4 =	simm.s32 $_size__tile_overlayer_lowered;
	s5 =	simm.s32 $_tile_overlayer_lowered  }
0x9b: {  	s22 =	simm.s32 $0x1BFF;
	s21 =	sshll.u32 s5, $0x1;
	s2 =	sadd.s32 s19, s18  }
0x9c: {  	s6 =	simm.s32 $0x0;
	s20 =	sshll.u32 s4, $0x1;
	s4 =	sadd.s32 s21, s2  }
0x9d: {  	[timem:s6], [sflag:s22] =	dma.local [hbm:s4], s20  }
0x9e: {  	_ =	swait.ge [sflag:s22], s20  }
0x9f: {  	s3 =	ssub.s32 $0x0, s20;
	[sflag:s22] =	ssyncset.done $0x0  }
0xa0: {  	[sflag:s22] =	ssyncadd.s32 s3;
	_ =	sdelay $0x1  }
0xa1: {  	s23 =	simm.s32 $0x1B8B  }
0xa2: {  	_ =	swait.ge [sflag:s23], $0x1  }
0xa3: {  	[sflag:s23] =	ssyncset.done $0x0  }
0xa4: {  	s25 =	simm.s32 $0x1B8E;
	s24 =	sld [smem:$0x3FFE];
	[sflag:s23] =	ssyncadd.s32 $0xFFFFFFFF  }
0xa5: {  	s26 =	simm.s32 $execute0_lowered;
	[smem:$0x3FD2] =	sst s25  }
0xa6: {  	s4 =	sshll.u32 s26, $0x1;
	_ =	strace $0x80000049;
	[dreg:$0x1] =	wrdreg $0xFFFFFFFF  }
0xa7: {  	s28 =	simm.s32 $_size_execute0_lowered;
	s2 =	sadd.s32 s2, s4;
	[dreg:$0x0] =	wrdreg $0x0  }
0xa8: {  	s4 =	sshll.u32 s28, $0x1;
	[dreg:$0x2] =	wrdreg s2  }
0xa9: {  	[dreg:$0x3] =	wrdreg s4  }
0xaa: {  	[dreg:$0x4] =	wrdreg $0xC0  }
0xab: {  	_ =	task [dreg:s6], $0x5FFFF  }
0xac: {  	[dreg:$0x1] =	wrdreg $0xFFFFFFFF  }
0xad: {  	[dreg:$0x0] =	wrdreg $0x60  }
0xae: {  	[dreg:$0x2] =	wrdreg s24  }
0xaf: {  	[dreg:$0x3] =	wrdreg $0x0  }
0xb0: {  	[dreg:$0x4] =	wrdreg $0x9  }
0xb1: {  	_ =	task.clear_ibuf [dreg:s6], $0x5FFFF;
	_ =	strace $0x90000049  }
0xb2: {  	s29 =	simm.s32 $0x9;
	_ =	strace $0x8000004B  }
0xb3: {  	_ =	swait.ge [sflag:s29], $0x1  }
0xb4: {  	[sflag:s29] =	ssyncadd.s32 $0xFFFFFFFF  }
0xb5: {  	_ =	strace $0x9000004B  }
0xb6: {  	_ =	sfence  }
0xb7: {  	s30 =	sld [smem:$0x0];
	_ =	sdelay $0x2  }
0xb8: {  	s31 =	sshll.u32 s1, $0xD;
	s1 =	sshrl.u32 s1, $0x2  }
0xb9: {  	s3 =	sand.u32 $0x4000, s31;
	s1 =	sadd.s32 s1, s30  }
0xba: {  	s0 =	sor.u32 s3, s0;
	s1 =	sshll.u32 s1, $0x11  }
0xbb: {  	s0 =	sor.u32 s1, s0  }
0xbc: {  	s0 =	sadd.s32 $0x8F2B, s0  }
0xbd: {  	[sflag:s0] =	ssyncadd.remote.s32 $0x1  }
0xbe: {  	_ =	sfence.sel $0xFFFF  }
0xbf: {  	[dreg:$0x0] =	wrdreg $0xFFFFFFFF;
	(pc) =	sbr.abs _section_cstart, $3  }
0xc0: {  	[dreg:$0x1] =	wrdreg $0xFFFFFFFF  }
0xc1: {  	_ =	task.clear_ibuf [dreg:s6], $0x2FFFF;
	_ =	strace $0x9FFFFFFF  }
0xc2: {  	(tm) =	ssettm $0x7FFFFFFF  }
0xc3: {  	_ =	shalt  }
tec
execute0_lowered:
.L_overlay_start_1:
0x0: {  	(tag) =	ssettag $0x1  }
0x1: {  	s5 =	rddreg [dreg:$0x0]  }
0x2: {  	s2 =	rddreg [dreg:$0x1]  }
0x3: {  	s0 =	rddreg [dreg:$0x2]  }
0x4: {  	s4 =	srdreg.scid;
	s1 =	stileid.u32;
	s3 =	simm.s32 $0x0  }
0x5: {  	s15 =	simm.s32 $0x13C00;
	s16 =	simm.s32 $0x15000;
	s17 =	simm.s32 $0x80  }
0x6: {  	s18 =	simm.s32 $0x16400;
	s19 =	simm.s32 $0x13C80;
	s20 =	simm.s32 $0x1A400  }
0x7: {  	s21 =	simm.s32 $0x1;
	s22 =	simm.s32 $0x2;
	s23 =	simm.s32 $0x16300  }
0x8: {  	s24 =	simm.s32 $0x16380;
	s25 =	simm.s32 $0x0;
	s7 =	smul.u32 $0x13C00, s1  }
0x9: {  	s6 =	sand.u32 $0x1, s4;
	[smem:$0x7FF] =	sst s3;
	s10 =	smul.u32 $0x4F000, s1  }
0xa: {  	s4 =	sadd.s32 $0x5A00, s5;
	s11 =	sadd.s32 $0x37200, s5;
	s29 =	smul.u32 $0x2800, s1  }
0xb: {  	s12 =	sadd.s32 $0x2D200, s5;
	s31 =	sshll.u32 s1, $0x6;
	s8 =	smul.u32 $0x13C000, s6  }
0xc: {  	_ =	strace $0x8000004A;
	s9 =	ssub.s32 $0x2, s6;
	s13 =	smul.u32 $0x28000, s6  }
0xd: {  	s6 =	sor.u32 $0x1C03, s31;
	s26 =	sshrl.u32 s9, $0x1;
	s8 =	sadd.s32 s7, s8  }
0xe: {  	s28 =	sshrl.u32 s10, $0x2;
	s10 =	sadd.s32 s29, s13;
	s8 =	sshrl.u32 s8, $0x3  }
0xf: {  	s30 =	sshrl.u32 s7, $0x3;
	s13 =	sshrl.u32 s10, $0x3;
	s8 =	sadd.s32 s8, s5  }
0x10: {  	s9 =	ssub.s32 s9, s26;
	s10 =	sadd.s32 s12, s13;
	s7 =	sadd.s32 $0x41200, s8  }
0x11: {  	s8 =	smax.u32 s9, $0x1;
	s9 =	sadd.s32 s11, s13;
	s13 =	sadd.s32 $0x280, s13  }
0x12: {  	s14 =	sadd.s32 s28, s2;
	s5 =	sadd.s32 s4, s30;
	s11 =	sadd.s32 s11, s13  }
0x13: {  	s12 =	sadd.s32 s12, s13;
	s13 =	sshrl.u32 s14, $0x3;
	s14 =	simm.s32 $0x3  }
.LBB2_1:
0x14: {  	[spmem:s13], [sflag:s6] =	dma.local [hbm:s5], $0x2780  }
0x15: {  	_ =	swait.ge [sflag:s14], $0x2780  }
0x16: {  	[sflag:s14] =	ssyncset.done $0x0  }
0x17: {  	[sflag:s14] =	ssyncadd.s32 $0xFFFFD880  }
0x18: {  	[bflag:$0x0] =	sbarrier.arrive $0xFFFF  }
0x19: {  	[tilespmem:s15], [sflag:$0x3] =	stream.linear.gather [hbm4b:s9+s3], $0x1400, $0x38;
	[tilespmem:$0x1E400] =	vst v63  }
0x1a: {  	_ =	swait.ge [sflag:s14], $0x1400  }
0x1b: {  	[sflag:s14] =	ssyncset.done $0x0  }
0x1c: {  	[sflag:s14] =	ssyncadd.s32 $0xFFFFEC00  }
0x1d: {  	[tilespmem:s16], [sflag:$0x3] =	stream.linear.gather [hbm4b:s10+s3], $0x1400, $0x38;
	[tilespmem:$0x1E400] =	vst v63  }
0x1e: {  	_ =	swait.ge [sflag:s14], $0x1400  }
0x1f: {  	[sflag:s14] =	ssyncset.done $0x0  }
0x20: {  	[sflag:s14] =	ssyncadd.s32 $0xFFFFEC00  }
0x21: {  	[tilespmem:s18], [sflag:$0x1] =	stream.indirect.gather [hbm4b:s4+s17], $0x80, s15, s17, $0xb8;
	[tilespmem:$0x1E400] =	vst v63  }
0x22: {  	_ = 	snop  }
0x23: {  	[tilespmem:s20], [sflag:$0x2] =	stream.indirect.gather [hbm4b:s4+s17], $0x80, s19, s17, $0xb8;
	[tilespmem:$0x1E400] =	vst v63  }
0x24: {  	_ =	swait.ge [sflag:s21], $0x4000  }
0x25: {  	[sflag:s21] =	ssyncset.done $0x0  }
0x26: {  	s26 =	simm.s32 $0x13D00;
	[sflag:s21] =	ssyncadd.s32 $0xFFFFC000  }
0x27: {  	[tilespmem:s18], [sflag:$0x1] =	stream.indirect.gather [hbm4b:s4+s17], $0x80, s26, s17, $0xb8;
	[tilespmem:$0x1E400] =	vst v63  }
0x28: {  	_ =	swait.ge [sflag:s22], $0x4000  }
0x29: {  	[sflag:s22] =	ssyncset.done $0x0  }
0x2a: {  	s28 =	simm.s32 $0x13D80;
	s26 =	simm.s32 $0xFFFFB800;
	[sflag:s22] =	ssyncadd.s32 $0xFFFFC000  }
.LBB2_2:
0x2b: {  	[tilespmem:s20], [sflag:$0x2] =	stream.indirect.gather [hbm4b:s4+s17], $0x80, s28, s17, $0xb8;
	[tilespmem:$0x1E400] =	vst v63  }
0x2c: {  	s28 =	smov.u32 s26  }
0x2d: {  	p0 =	sne.s32 s26, $0xFFFFFC00;
	s26 =	sadd.s32 $0x400, s26;
	_ =	swait.ge [sflag:s21], $0x4000  }
0x2e: {  	s28 =	sshra.s32 s28, $0x2;
	[sflag:s21] =	ssyncset.done $0x0  }
.Ltmp0:
0x2f: {  	s29 =	sadd.s32 $0x15000, s28;
	[sflag:s21] =	ssyncadd.s32 $0xFFFFC000;
	(pc) =	sbr.rel @p0 .LBB2_2-.Ltmp0, $4  }
0x30: {  	[tilespmem:s18], [sflag:$0x1] =	stream.indirect.gather [hbm4b:s4+s17], $0x80, s29, s17, $0xb8;
	[tilespmem:$0x1E400] =	vst v63  }
0x31: {  	_ =	swait.ge [sflag:s22], $0x4000  }
0x32: {  	[sflag:s22] =	ssyncset.done $0x0  }
0x33: {  	s28 =	sadd.s32 $0x15080, s28;
	[sflag:s22] =	ssyncadd.s32 $0xFFFFC000  }
0x34: {  	[tilespmem:s20], [sflag:$0x2] =	stream.indirect.gather [hbm4b:s4+s17], $0x80, s28, s17, $0xb8;
	[tilespmem:$0x1E400] =	vst v63  }
0x35: {  	_ =	swait.ge [sflag:s21], $0x4000  }
0x36: {  	[sflag:s21] =	ssyncset.done $0x0  }
0x37: {  	[sflag:s21] =	ssyncadd.s32 $0xFFFFC000  }
0x38: {  	[spmem:s2] =	stream.indirect.scatter.add.f32 [tilespmem:s18], [sflag:$0x3], $0x80, s23, s17, $0xb8;
	[tilespmem:$0x1E400] =	vst v63  }
0x39: {  	_ =	swait.ge [sflag:s14], $0x4000  }
0x3a: {  	[sflag:s14] =	ssyncset.done $0x0  }
0x3b: {  	[sflag:s14] =	ssyncadd.s32 $0xFFFFC000  }
0x3c: {  	_ =	swait.ge [sflag:s22], $0x4000  }
0x3d: {  	[sflag:s22] =	ssyncset.done $0x0  }
0x3e: {  	[sflag:s22] =	ssyncadd.s32 $0xFFFFC000  }
0x3f: {  	[spmem:s2] =	stream.indirect.scatter.add.f32 [tilespmem:s20], [sflag:$0x3], $0x80, s24, s17, $0xb8;
	[tilespmem:$0x1E400] =	vst v63  }
0x40: {  	_ =	swait.ge [sflag:s14], $0x4000  }
0x41: {  	[sflag:s14] =	ssyncset.done $0x0  }
0x42: {  	[sflag:s14] =	ssyncadd.s32 $0xFFFFC000  }
0x43: {  	[tilespmem:s15], [sflag:$0x3] =	stream.linear.gather [hbm4b:s11+s3], $0x1400, $0x38;
	[tilespmem:$0x1E400] =	vst v63  }
0x44: {  	_ =	swait.ge [sflag:s14], $0x1400  }
0x45: {  	[sflag:s14] =	ssyncset.done $0x0  }
0x46: {  	[sflag:s14] =	ssyncadd.s32 $0xFFFFEC00  }
0x47: {  	[tilespmem:s16], [sflag:$0x3] =	stream.linear.gather [hbm4b:s12+s3], $0x1400, $0x38;
	[tilespmem:$0x1E400] =	vst v63  }
0x48: {  	_ =	swait.ge [sflag:s14], $0x1400  }
0x49: {  	[sflag:s14] =	ssyncset.done $0x0  }
0x4a: {  	[sflag:s14] =	ssyncadd.s32 $0xFFFFEC00  }
0x4b: {  	[tilespmem:s18], [sflag:$0x1] =	stream.indirect.gather [hbm4b:s4+s17], $0x80, s15, s17, $0xb8;
	[tilespmem:$0x1E400] =	vst v63  }
0x4c: {  	_ = 	snop  }
0x4d: {  	[tilespmem:s20], [sflag:$0x2] =	stream.indirect.gather [hbm4b:s4+s17], $0x80, s19, s17, $0xb8;
	[tilespmem:$0x1E400] =	vst v63  }
0x4e: {  	_ =	swait.ge [sflag:s21], $0x4000  }
0x4f: {  	[sflag:s21] =	ssyncset.done $0x0  }
0x50: {  	s26 =	simm.s32 $0x13D00;
	[sflag:s21] =	ssyncadd.s32 $0xFFFFC000  }
0x51: {  	[tilespmem:s18], [sflag:$0x1] =	stream.indirect.gather [hbm4b:s4+s17], $0x80, s26, s17, $0xb8;
	[tilespmem:$0x1E400] =	vst v63  }
0x52: {  	_ =	swait.ge [sflag:s22], $0x4000  }
0x53: {  	[sflag:s22] =	ssyncset.done $0x0  }
0x54: {  	s28 =	simm.s32 $0x13D80;
	s26 =	simm.s32 $0xFFFFB800;
	[sflag:s22] =	ssyncadd.s32 $0xFFFFC000  }
.LBB2_4:
0x55: {  	[tilespmem:s20], [sflag:$0x2] =	stream.indirect.gather [hbm4b:s4+s17], $0x80, s28, s17, $0xb8;
	[tilespmem:$0x1E400] =	vst v63  }
0x56: {  	s28 =	smov.u32 s26  }
0x57: {  	p0 =	sne.s32 s26, $0xFFFFFC00;
	s26 =	sadd.s32 $0x400, s26;
	_ =	swait.ge [sflag:s21], $0x4000  }
0x58: {  	s28 =	sshra.s32 s28, $0x2;
	[sflag:s21] =	ssyncset.done $0x0  }
.Ltmp1:
0x59: {  	s29 =	sadd.s32 $0x15000, s28;
	[sflag:s21] =	ssyncadd.s32 $0xFFFFC000;
	(pc) =	sbr.rel @p0 .LBB2_4-.Ltmp1, $4  }
0x5a: {  	[tilespmem:s18], [sflag:$0x1] =	stream.indirect.gather [hbm4b:s4+s17], $0x80, s29, s17, $0xb8;
	[tilespmem:$0x1E400] =	vst v63  }
0x5b: {  	_ =	swait.ge [sflag:s22], $0x4000  }
0x5c: {  	[sflag:s22] =	ssyncset.done $0x0  }
0x5d: {  	s28 =	sadd.s32 $0x15080, s28;
	[sflag:s22] =	ssyncadd.s32 $0xFFFFC000  }
0x5e: {  	[tilespmem:s20], [sflag:$0x2] =	stream.indirect.gather [hbm4b:s4+s17], $0x80, s28, s17, $0xb8;
	[tilespmem:$0x1E400] =	vst v63  }
0x5f: {  	_ =	swait.ge [sflag:s21], $0x4000  }
0x60: {  	[sflag:s21] =	ssyncset.done $0x0  }
0x61: {  	[sflag:s21] =	ssyncadd.s32 $0xFFFFC000  }
0x62: {  	[spmem:s2] =	stream.indirect.scatter.add.f32 [tilespmem:s18], [sflag:$0x3], $0x80, s23, s17, $0xb8;
	[tilespmem:$0x1E400] =	vst v63  }
0x63: {  	_ =	swait.ge [sflag:s14], $0x4000  }
0x64: {  	[sflag:s14] =	ssyncset.done $0x0  }
0x65: {  	[sflag:s14] =	ssyncadd.s32 $0xFFFFC000  }
0x66: {  	_ =	swait.ge [sflag:s22], $0x4000  }
0x67: {  	[sflag:s22] =	ssyncset.done $0x0  }
0x68: {  	[sflag:s22] =	ssyncadd.s32 $0xFFFFC000  }
0x69: {  	[spmem:s2] =	stream.indirect.scatter.add.f32 [tilespmem:s20], [sflag:$0x3], $0x80, s24, s17, $0xb8;
	[tilespmem:$0x1E400] =	vst v63  }
0x6a: {  	_ =	swait.ge [sflag:s14], $0x4000  }
0x6b: {  	s25 =	sadd.s32 $0x1, s25;
	[sflag:s14] =	ssyncset.done $0x0  }
0x6c: {  	p0 =	sne.s32 s25, s8;
	[sflag:s14] =	ssyncadd.s32 $0xFFFFC000  }
.Ltmp2:
0x6d: {  	[bflag:$0x0] =	sbarrier.arrive $0xFFFF;
	(pc) =	sbr.rel @p0 .LBB2_1-.Ltmp2, $4  }
0x6e: {  	[hbm:s7], [sflag:s6] =	dma.local [spmem:s13], $0x2780  }
0x6f: {  	_ =	swait.ge [sflag:s14], $0x2780  }
0x70: {  	[sflag:s14] =	ssyncset.done $0x0  }
0x71: {  	[sflag:s14] =	ssyncadd.s32 $0xFFFFD880  }
0x72: {  	_ =	sfence.sel $0x180000  }
0x73: {  	[bflag:$0x0] =	sbarrier.arrive $0xFFFF  }
0x74: {  	p0 =	sne.s32 s1, $0x0;
	_ =	strace $0x9000004A  }
0x75: {  	s0 =	sadd.s32 @!p0 $0x100000, s0;
	[bflag:$0x2] =	sbarrier.arrive $0xFFFF  }
0x76: {  	[sflag:s0] =	ssyncadd.tile.s32 @!p0 $0x1;
	_ =	shalt  }
.Lfunc_end2:
_tile_overlayer_lowered:
.L_overlay_start_2:
0x77: {  	(tag) =	ssettag $0x2  }
0x78: {  	s0 =	rddreg [dreg:$0x0];
	s2 =	stileid.u32  }
0x79: {  	s1 =	rddreg [dreg:$0x1];
	p0 =	sne.s32 s2, $0x0  }
0x7a: {  	s3 =	rddreg [dreg:$0x2];
	[bflag:$0x3] =	sbarrier.arrive $0xFFFF;
	s2 =	simm.s32 @!p0 $0x1C03  }
0x7b: {  	[timem:s3], [sflag:s2] =	dma.local @!p0 [hbm:s0], s1  }
0x7c: {  	s0 =	simm.s32 @!p0 $0x3  }
0x7d: {  	_ =	swait.ge @!p0 [sflag:s0], s1  }
0x7e: {  	s1 =	ssub.s32 @!p0 $0x0, s1;
	[sflag:s0] =	ssyncset.done @!p0 $0x0  }
0x7f: {  	[sflag:s0] =	ssyncadd.s32 @!p0 s1  }
0x80: {  	[bflag:$0x3] =	sbarrier.arrive $0xFFFF  }
0x81: {  	_ =	shalt  }

// kernel: kernel.14.cloned.1.call-start
scs
__scs_entry_jumppad:
0x0: {  	(pc) =	sbr.rel $0x88, $3  }
0x1: {  	(tag) =	ssettag $0x0;
	lr =	simm.s32 $0x1  }
0x2: {  	[smem:$0x3F84] =	sst lr;
	_ =	strace $0xD0000000  }
0x3: {  	_ = 	snop  }
0x4: {  	_ = 	snop  }
0x5: {  	_ = 	snop  }
0x6: {  	_ = 	snop  }
0x7: {  	_ = 	snop  }
__scs_overlays_trampoline_lowered:
0x8: {  	[smem:$0x3F93] =	sst s0  }
0x9: {  	[smem:$0x3F94] =	sst s1  }
0xa: {  	[smem:$0x3F95] =	sst s2  }
0xb: {  	[smem:$0x3F96] =	sst s3  }
0xc: {  	[smem:$0x3F97] =	sst s4  }
0xd: {  	[smem:$0x3F98] =	sst s5  }
0xe: {  	[smem:$0x3F99] =	sst s6  }
0xf: {  	[smem:$0x3F9A] =	sst s7  }
0x10: {  	[smem:$0x3F9B] =	sst s8  }
0x11: {  	[smem:$0x3F9C] =	sst s9;
	s0 =	simm.s32 @!p0 $0x0  }
0x12: {  	s1 =	sld [smem:$0x3F82];
	s0 =	simm.s32 @p0 $0x1  }
0x13: {  	[smem:$0x3F9D] =	sst s0;
	s0 =	simm.s32 @!p1 $0x0  }
0x14: {  	s2 =	sld [smem:$0x3F81];
	s0 =	simm.s32 @p1 $0x1  }
0x15: {  	[smem:$0x3F9E] =	sst s0;
	s0 =	simm.s32 @!p2 $0x0  }
0x16: {  	s3 =	sld [smem:$0x3FDB];
	s0 =	simm.s32 @p2 $0x1  }
0x17: {  	s4 =	simm.s32 $0x1BF5;
	[smem:$0x3FA0] =	sst s0  }
0x18: {  	s0 =	sld [smem:$0x3F83];
	_ =	swait.ge [sflag:s4], $0x0  }
0x19: {  	s7 =	sld [smem:$0x3F84]  }
0x1a: {  	s8 =	sadd.s32 $0xFFFFE003, lr  }
0x1b: {  	s9 =	sadd.s32 $0xFFFFFEF7, lr;
	s5 =	simm.s32 $0xFFFFFFFF;
	p2 =	slt.u32 s8, $0xFFFFF086  }
0x1c: {  	p1 =	slt.u32 s9, $0xF7A;
	s5 =	simm.s32 @!p2 $0x0  }
0x1d: {  	s5 =	simm.s32 @p1 $0x1;
	p0 =	seq.s32 s7, s2  }
0x1e: {  	s7 =	smul.u32 @!p0 $0xF7A, s2;
	p2 =	seq.s32 @!p0 s5, $0x0  }
0x1f: {  	s9 =	smul.u32 $0xF7A, s1;
	s8 =	simm.s32 @!p0 $0x1BF5;
	p2 =	por !p2, p0  }
0x20: {  	[sflag:s8] =	ssyncset.s32 @!p0 $0xFFFFF086;
	s6 =	sadd.s32 @!p0 s3, s7;
	s7 =	simm.s32 @!p0 $0x108  }
0x21: {  	s3 =	sadd.s32 s3, s9;
	s6 =	sadd.s32 @!p0 $0x88, s6;
	s7 =	simm.s32 @p2 $0x1082  }
0x22: {  	[simem:s7], [sflag:s8] =	dma.local @!p0 [hbm:s6], $0xF7A  }
0x23: {  	s9 =	sor.u32 $0xD0000000, s2;
	s6 =	simm.s32 $0x108;
	_ =	swait.ge @!p0 [sflag:s8], $0x0  }
0x24: {  	s3 =	sadd.s32 $0x88, s3;
	s6 =	simm.s32 @!p1 $0x1082;
	[sflag:s4] =	ssyncset.s32 $0xFFFFF086  }
0x25: {  	[simem:s6], [sflag:s4] =	dma.local [hbm:s3], $0xF7A  }
0x26: {  	[smem:$0x3F84] =	sst s1;
	(tag) =	ssettag s2;
	_ =	strace s9  }
0x27: {  	s1 =	sld [smem:$0x3F94]  }
0x28: {  	s2 =	sld [smem:$0x3F95]  }
0x29: {  	s4 =	sld [smem:$0x3F97]  }
0x2a: {  	p0 =	seq.s32 s5, $0x0;
	s5 =	sld [smem:$0x3F98]  }
0x2b: {  	s6 =	sld [smem:$0x3F99]  }
0x2c: {  	s7 =	sld [smem:$0x3F9A]  }
0x2d: {  	s3 =	simm.s32 $0x108;
	s8 =	sld [smem:$0x3F9B]  }
0x2e: {  	s3 =	simm.s32 @!p0 $0x1082;
	s9 =	sld [smem:$0x3F9C]  }
0x2f: {  	lr =	sadd.s32 s0, s3;
	s0 =	sld [smem:$0x3F93]  }
0x30: {  	s3 =	sld [smem:$0x3F96]  }
0x31: {  	[smem:$0x3F9F] =	sst s10  }
0x32: {  	s10 =	sld [smem:$0x3F9D];
	_ =	sdelay $0x3  }
0x33: {  	p0 =	seq.s32 s10, $0x1;
	s10 =	sld [smem:$0x3F9F];
	_ =	sdelay $0x3  }
0x34: {  	[smem:$0x3F9F] =	sst s10  }
0x35: {  	s10 =	sld [smem:$0x3F9E];
	_ =	sdelay $0x3  }
0x36: {  	p1 =	seq.s32 s10, $0x1;
	s10 =	sld [smem:$0x3F9F];
	_ =	sdelay $0x3  }
0x37: {  	[smem:$0x3F9F] =	sst s10  }
0x38: {  	s10 =	sld [smem:$0x3FA0]  }
0x39: {  	_ = 	snop;
	(pc) =	sbr.ind lr, $3  }
0x3a: {  	_ = 	snop  }
0x3b: {  	_ = 	snop  }
0x3c: {  	p2 =	seq.s32 s10, $0x1;
	s10 =	sld [smem:$0x3F9F]  }
0x3d: {  	_ =	shalt  }
0x3e: {  	_ =	shalt  }
0x3f: {  	_ =	shalt  }
0x40: {  	_ =	shalt  }
0x41: {  	_ =	shalt  }
0x42: {  	_ =	shalt  }
0x43: {  	_ =	shalt  }
0x44: {  	_ =	shalt  }
0x45: {  	_ =	shalt  }
0x46: {  	_ =	shalt  }
0x47: {  	_ =	shalt  }
0x48: {  	_ =	shalt  }
0x49: {  	_ =	shalt  }
0x4a: {  	_ =	shalt  }
0x4b: {  	_ =	shalt  }
0x4c: {  	_ =	shalt  }
0x4d: {  	_ =	shalt  }
0x4e: {  	_ =	shalt  }
0x4f: {  	_ =	shalt  }
0x50: {  	_ =	shalt  }
0x51: {  	_ =	shalt  }
0x52: {  	_ =	shalt  }
0x53: {  	_ =	shalt  }
0x54: {  	_ =	shalt  }
0x55: {  	_ =	shalt  }
0x56: {  	_ =	shalt  }
0x57: {  	_ =	shalt  }
0x58: {  	_ =	shalt  }
0x59: {  	_ =	shalt  }
0x5a: {  	_ =	shalt  }
0x5b: {  	_ =	shalt  }
0x5c: {  	_ =	shalt  }
0x5d: {  	_ =	shalt  }
0x5e: {  	_ =	shalt  }
0x5f: {  	_ =	shalt  }
0x60: {  	_ =	shalt  }
0x61: {  	_ =	shalt  }
0x62: {  	_ =	shalt  }
0x63: {  	_ =	shalt  }
0x64: {  	_ =	shalt  }
0x65: {  	_ =	shalt  }
0x66: {  	_ =	shalt  }
0x67: {  	_ =	shalt  }
0x68: {  	_ =	shalt  }
0x69: {  	_ =	shalt  }
0x6a: {  	_ =	shalt  }
0x6b: {  	_ =	shalt  }
0x6c: {  	_ =	shalt  }
0x6d: {  	_ =	shalt  }
0x6e: {  	_ =	shalt  }
0x6f: {  	_ =	shalt  }
0x70: {  	_ =	shalt  }
0x71: {  	_ =	shalt  }
0x72: {  	_ =	shalt  }
0x73: {  	_ =	shalt  }
0x74: {  	_ =	shalt  }
0x75: {  	_ =	shalt  }
0x76: {  	_ =	shalt  }
0x77: {  	_ =	shalt  }
0x78: {  	_ =	shalt  }
0x79: {  	_ =	shalt  }
0x7a: {  	_ =	shalt  }
0x7b: {  	_ =	shalt  }
0x7c: {  	_ =	shalt  }
0x7d: {  	_ =	shalt  }
0x7e: {  	_ =	shalt  }
0x7f: {  	_ =	shalt  }
0x80: {  	_ =	shalt  }
0x81: {  	_ =	shalt  }
0x82: {  	_ =	shalt  }
0x83: {  	_ =	shalt  }
0x84: {  	_ =	shalt  }
0x85: {  	_ =	shalt  }
0x86: {  	_ =	shalt  }
0x87: {  	_ =	shalt  }
.Lfunc_end0:
.L_simem_size_0:
called_computation.2_lowered:
.L_overlay_start_0:
0x88: {  	s2 =	sld [smem:$0x3FD9]  }
0x89: {  	s3 =	sld [smem:$0x3FFE];
	_ =	sdelay $0x1  }
0x8a: {  	s1 =	srdreg.scid  }
0x8b: {  	s0 =	sand.u32 $0x1, s1  }
0x8c: {  	s16 =	sshll.u32 s0, $0xA;
	s2 =	sadd.s32 s3, s2  }
0x8d: {  	s2 =	sadd.s32 s2, s16  }
0x8e: {  	[smem:$0x3FAB] =	sst s2  }
0x8f: {  	_ = 	snop  }
0x90: {  	(tm) =	ssettm $0x1  }
0x91: {  	s17 =	sld [smem:$0x3FFB];
	_ =	sdelay $0x3  }
0x92: {  	_ =	strace s17  }
0x93: {  	s2 =	sld [smem:$0x3FFC];
	_ =	sdelay $0x3  }
0x94: {  	_ =	strace s2  }
0x95: {  	s2 =	sld [smem:$0x3FFD];
	_ =	sdelay $0x3  }
0x96: {  	_ =	strace s2  }
0x97: {  	_ =	strace $0x8FFFFFFF  }
0x98: {  	s18 =	sld [smem:$0x3FDB];
	_ =	sdelay $0x1  }
0x99: {  	s19 =	simm.s32 $_scs_section_size  }
0x9a: {  	s4 =	simm.s32 $_size__tile_overlayer_lowered;
	s5 =	simm.s32 $_tile_overlayer_lowered  }
0x9b: {  	s22 =	simm.s32 $0x1BFF;
	s21 =	sshll.u32 s5, $0x1;
	s2 =	sadd.s32 s19, s18  }
0x9c: {  	s6 =	simm.s32 $0x0;
	s20 =	sshll.u32 s4, $0x1;
	s4 =	sadd.s32 s21, s2  }
0x9d: {  	[timem:s6], [sflag:s22] =	dma.local [hbm:s4], s20  }
0x9e: {  	_ =	swait.ge [sflag:s22], s20  }
0x9f: {  	s3 =	ssub.s32 $0x0, s20;
	[sflag:s22] =	ssyncset.done $0x0  }
0xa0: {  	[sflag:s22] =	ssyncadd.s32 s3;
	_ =	sdelay $0x1  }
0xa1: {  	s23 =	simm.s32 $0x1B8B  }
0xa2: {  	_ =	swait.ge [sflag:s23], $0x1  }
0xa3: {  	[sflag:s23] =	ssyncset.done $0x0  }
0xa4: {  	s25 =	simm.s32 $0x1B8E;
	s24 =	sld [smem:$0x3FFE];
	[sflag:s23] =	ssyncadd.s32 $0xFFFFFFFF  }
0xa5: {  	s26 =	simm.s32 $execute0_lowered;
	[smem:$0x3FD2] =	sst s25  }
0xa6: {  	s4 =	sshll.u32 s26, $0x1;
	_ =	strace $0x8000004C;
	[dreg:$0x1] =	wrdreg $0xFFFFFFFF  }
0xa7: {  	s28 =	simm.s32 $_size_execute0_lowered;
	s2 =	sadd.s32 s2, s4;
	[dreg:$0x0] =	wrdreg $0x0  }
0xa8: {  	s4 =	sshll.u32 s28, $0x1;
	[dreg:$0x2] =	wrdreg s2  }
0xa9: {  	[dreg:$0x3] =	wrdreg s4  }
0xaa: {  	[dreg:$0x4] =	wrdreg $0xC0  }
0xab: {  	_ =	task [dreg:s6], $0x5FFFF  }
0xac: {  	[dreg:$0x1] =	wrdreg $0xFFFFFFFF  }
0xad: {  	[dreg:$0x0] =	wrdreg $0x60  }
0xae: {  	[dreg:$0x2] =	wrdreg s24  }
0xaf: {  	[dreg:$0x3] =	wrdreg $0x0  }
0xb0: {  	[dreg:$0x4] =	wrdreg $0x9  }
0xb1: {  	_ =	task.clear_ibuf [dreg:s6], $0x5FFFF;
	_ =	strace $0x9000004C  }
0xb2: {  	s29 =	simm.s32 $0x9;
	_ =	strace $0x8000004E  }
0xb3: {  	_ =	swait.ge [sflag:s29], $0x1  }
0xb4: {  	[sflag:s29] =	ssyncadd.s32 $0xFFFFFFFF  }
0xb5: {  	_ =	strace $0x9000004E  }
0xb6: {  	_ =	sfence  }
0xb7: {  	s30 =	sld [smem:$0x0];
	_ =	sdelay $0x2  }
0xb8: {  	s31 =	sshll.u32 s1, $0xD;
	s1 =	sshrl.u32 s1, $0x2  }
0xb9: {  	s3 =	sand.u32 $0x4000, s31;
	s1 =	sadd.s32 s1, s30  }
0xba: {  	s0 =	sor.u32 s3, s0;
	s1 =	sshll.u32 s1, $0x11  }
0xbb: {  	s0 =	sor.u32 s1, s0  }
0xbc: {  	s0 =	sadd.s32 $0x8F2B, s0  }
0xbd: {  	[sflag:s0] =	ssyncadd.remote.s32 $0x1  }
0xbe: {  	_ =	sfence.sel $0xFFFF  }
0xbf: {  	[dreg:$0x0] =	wrdreg $0xFFFFFFFF;
	(pc) =	sbr.abs _section_cstart, $3  }
0xc0: {  	[dreg:$0x1] =	wrdreg $0xFFFFFFFF  }
0xc1: {  	_ =	task.clear_ibuf [dreg:s6], $0x2FFFF;
	_ =	strace $0x9FFFFFFF  }
0xc2: {  	(tm) =	ssettm $0x7FFFFFFF  }
0xc3: {  	_ =	shalt  }
tec
execute0_lowered:
.L_overlay_start_1:
0x0: {  	(tag) =	ssettag $0x1  }
0x1: {  	s5 =	rddreg [dreg:$0x0]  }
0x2: {  	s2 =	rddreg [dreg:$0x1]  }
0x3: {  	s0 =	rddreg [dreg:$0x2]  }
0x4: {  	s4 =	srdreg.scid;
	s1 =	stileid.u32;
	s3 =	simm.s32 $0x0  }
0x5: {  	s15 =	simm.s32 $0x13C00;
	s16 =	simm.s32 $0x15000;
	s17 =	simm.s32 $0x80  }
0x6: {  	s18 =	simm.s32 $0x16400;
	s19 =	simm.s32 $0x13C80;
	s20 =	simm.s32 $0x1A400  }
0x7: {  	s21 =	simm.s32 $0x1;
	s22 =	simm.s32 $0x2;
	s23 =	simm.s32 $0x16300  }
0x8: {  	s24 =	simm.s32 $0x16380;
	s25 =	simm.s32 $0x0;
	s7 =	smul.u32 $0x13C00, s1  }
0x9: {  	s6 =	sand.u32 $0x1, s4;
	[smem:$0x7FF] =	sst s3;
	s10 =	smul.u32 $0x4F000, s1  }
0xa: {  	s4 =	sadd.s32 $0x5A00, s5;
	s11 =	sadd.s32 $0x37200, s5;
	s29 =	smul.u32 $0x2800, s1  }
0xb: {  	s12 =	sadd.s32 $0x2D200, s5;
	s31 =	sshll.u32 s1, $0x6;
	s8 =	smul.u32 $0x13C000, s6  }
0xc: {  	_ =	strace $0x8000004D;
	s9 =	ssub.s32 $0x2, s6;
	s13 =	smul.u32 $0x28000, s6  }
0xd: {  	s6 =	sor.u32 $0x1C03, s31;
	s26 =	sshrl.u32 s9, $0x1;
	s8 =	sadd.s32 s7, s8  }
0xe: {  	s28 =	sshrl.u32 s10, $0x2;
	s10 =	sadd.s32 s29, s13;
	s8 =	sshrl.u32 s8, $0x3  }
0xf: {  	s30 =	sshrl.u32 s7, $0x3;
	s13 =	sshrl.u32 s10, $0x3;
	s8 =	sadd.s32 s8, s5  }
0x10: {  	s9 =	ssub.s32 s9, s26;
	s10 =	sadd.s32 s12, s13;
	s7 =	sadd.s32 $0x41200, s8  }
0x11: {  	s8 =	smax.u32 s9, $0x1;
	s9 =	sadd.s32 s11, s13;
	s13 =	sadd.s32 $0x280, s13  }
0x12: {  	s14 =	sadd.s32 s28, s2;
	s5 =	sadd.s32 s4, s30;
	s11 =	sadd.s32 s11, s13  }
0x13: {  	s12 =	sadd.s32 s12, s13;
	s13 =	sshrl.u32 s14, $0x3;
	s14 =	simm.s32 $0x3  }
.LBB2_1:
0x14: {  	[spmem:s13], [sflag:s6] =	dma.local [hbm:s5], $0x2780  }
0x15: {  	_ =	swait.ge [sflag:s14], $0x2780  }
0x16: {  	[sflag:s14] =	ssyncset.done $0x0  }
0x17: {  	[sflag:s14] =	ssyncadd.s32 $0xFFFFD880  }
0x18: {  	[bflag:$0x0] =	sbarrier.arrive $0xFFFF  }
0x19: {  	[tilespmem:s15], [sflag:$0x3] =	stream.linear.gather [hbm4b:s9+s3], $0x1400, $0x38;
	[tilespmem:$0x1E400] =	vst v63  }
0x1a: {  	_ =	swait.ge [sflag:s14], $0x1400  }
0x1b: {  	[sflag:s14] =	ssyncset.done $0x0  }
0x1c: {  	[sflag:s14] =	ssyncadd.s32 $0xFFFFEC00  }
0x1d: {  	[tilespmem:s16], [sflag:$0x3] =	stream.linear.gather [hbm4b:s10+s3], $0x1400, $0x38;
	[tilespmem:$0x1E400] =	vst v63  }
0x1e: {  	_ =	swait.ge [sflag:s14], $0x1400  }
0x1f: {  	[sflag:s14] =	ssyncset.done $0x0  }
0x20: {  	[sflag:s14] =	ssyncadd.s32 $0xFFFFEC00  }
0x21: {  	[tilespmem:s18], [sflag:$0x1] =	stream.indirect.gather [hbm4b:s4+s17], $0x80, s15, s17, $0xb8;
	[tilespmem:$0x1E400] =	vst v63  }
0x22: {  	_ = 	snop  }
0x23: {  	[tilespmem:s20], [sflag:$0x2] =	stream.indirect.gather [hbm4b:s4+s17], $0x80, s19, s17, $0xb8;
	[tilespmem:$0x1E400] =	vst v63  }
0x24: {  	_ =	swait.ge [sflag:s21], $0x4000  }
0x25: {  	[sflag:s21] =	ssyncset.done $0x0  }
0x26: {  	s26 =	simm.s32 $0x13D00;
	[sflag:s21] =	ssyncadd.s32 $0xFFFFC000  }
0x27: {  	[tilespmem:s18], [sflag:$0x1] =	stream.indirect.gather [hbm4b:s4+s17], $0x80, s26, s17, $0xb8;
	[tilespmem:$0x1E400] =	vst v63  }
0x28: {  	_ =	swait.ge [sflag:s22], $0x4000  }
0x29: {  	[sflag:s22] =	ssyncset.done $0x0  }
0x2a: {  	s28 =	simm.s32 $0x13D80;
	s26 =	simm.s32 $0xFFFFB800;
	[sflag:s22] =	ssyncadd.s32 $0xFFFFC000  }
.LBB2_2:
0x2b: {  	[tilespmem:s20], [sflag:$0x2] =	stream.indirect.gather [hbm4b:s4+s17], $0x80, s28, s17, $0xb8;
	[tilespmem:$0x1E400] =	vst v63  }
0x2c: {  	s28 =	smov.u32 s26  }
0x2d: {  	p0 =	sne.s32 s26, $0xFFFFFC00;
	s26 =	sadd.s32 $0x400, s26;
	_ =	swait.ge [sflag:s21], $0x4000  }
0x2e: {  	s28 =	sshra.s32 s28, $0x2;
	[sflag:s21] =	ssyncset.done $0x0  }
.Ltmp0:
0x2f: {  	s29 =	sadd.s32 $0x15000, s28;
	[sflag:s21] =	ssyncadd.s32 $0xFFFFC000;
	(pc) =	sbr.rel @p0 .LBB2_2-.Ltmp0, $4  }
0x30: {  	[tilespmem:s18], [sflag:$0x1] =	stream.indirect.gather [hbm4b:s4+s17], $0x80, s29, s17, $0xb8;
	[tilespmem:$0x1E400] =	vst v63  }
0x31: {  	_ =	swait.ge [sflag:s22], $0x4000  }
0x32: {  	[sflag:s22] =	ssyncset.done $0x0  }
0x33: {  	s28 =	sadd.s32 $0x15080, s28;
	[sflag:s22] =	ssyncadd.s32 $0xFFFFC000  }
0x34: {  	[tilespmem:s20], [sflag:$0x2] =	stream.indirect.gather [hbm4b:s4+s17], $0x80, s28, s17, $0xb8;
	[tilespmem:$0x1E400] =	vst v63  }
0x35: {  	_ =	swait.ge [sflag:s21], $0x4000  }
0x36: {  	[sflag:s21] =	ssyncset.done $0x0  }
0x37: {  	[sflag:s21] =	ssyncadd.s32 $0xFFFFC000  }
0x38: {  	[spmem:s2] =	stream.indirect.scatter.add.f32 [tilespmem:s18], [sflag:$0x3], $0x80, s23, s17, $0xb8;
	[tilespmem:$0x1E400] =	vst v63  }
0x39: {  	_ =	swait.ge [sflag:s14], $0x4000  }
0x3a: {  	[sflag:s14] =	ssyncset.done $0x0  }
0x3b: {  	[sflag:s14] =	ssyncadd.s32 $0xFFFFC000  }
0x3c: {  	_ =	swait.ge [sflag:s22], $0x4000  }
0x3d: {  	[sflag:s22] =	ssyncset.done $0x0  }
0x3e: {  	[sflag:s22] =	ssyncadd.s32 $0xFFFFC000  }
0x3f: {  	[spmem:s2] =	stream.indirect.scatter.add.f32 [tilespmem:s20], [sflag:$0x3], $0x80, s24, s17, $0xb8;
	[tilespmem:$0x1E400] =	vst v63  }
0x40: {  	_ =	swait.ge [sflag:s14], $0x4000  }
0x41: {  	[sflag:s14] =	ssyncset.done $0x0  }
0x42: {  	[sflag:s14] =	ssyncadd.s32 $0xFFFFC000  }
0x43: {  	[tilespmem:s15], [sflag:$0x3] =	stream.linear.gather [hbm4b:s11+s3], $0x1400, $0x38;
	[tilespmem:$0x1E400] =	vst v63  }
0x44: {  	_ =	swait.ge [sflag:s14], $0x1400  }
0x45: {  	[sflag:s14] =	ssyncset.done $0x0  }
0x46: {  	[sflag:s14] =	ssyncadd.s32 $0xFFFFEC00  }
0x47: {  	[tilespmem:s16], [sflag:$0x3] =	stream.linear.gather [hbm4b:s12+s3], $0x1400, $0x38;
	[tilespmem:$0x1E400] =	vst v63  }
0x48: {  	_ =	swait.ge [sflag:s14], $0x1400  }
0x49: {  	[sflag:s14] =	ssyncset.done $0x0  }
0x4a: {  	[sflag:s14] =	ssyncadd.s32 $0xFFFFEC00  }
0x4b: {  	[tilespmem:s18], [sflag:$0x1] =	stream.indirect.gather [hbm4b:s4+s17], $0x80, s15, s17, $0xb8;
	[tilespmem:$0x1E400] =	vst v63  }
0x4c: {  	_ = 	snop  }
0x4d: {  	[tilespmem:s20], [sflag:$0x2] =	stream.indirect.gather [hbm4b:s4+s17], $0x80, s19, s17, $0xb8;
	[tilespmem:$0x1E400] =	vst v63  }
0x4e: {  	_ =	swait.ge [sflag:s21], $0x4000  }
0x4f: {  	[sflag:s21] =	ssyncset.done $0x0  }
0x50: {  	s26 =	simm.s32 $0x13D00;
	[sflag:s21] =	ssyncadd.s32 $0xFFFFC000  }
0x51: {  	[tilespmem:s18], [sflag:$0x1] =	stream.indirect.gather [hbm4b:s4+s17], $0x80, s26, s17, $0xb8;
	[tilespmem:$0x1E400] =	vst v63  }
0x52: {  	_ =	swait.ge [sflag:s22], $0x4000  }
0x53: {  	[sflag:s22] =	ssyncset.done $0x0  }
0x54: {  	s28 =	simm.s32 $0x13D80;
	s26 =	simm.s32 $0xFFFFB800;
	[sflag:s22] =	ssyncadd.s32 $0xFFFFC000  }
.LBB2_4:
0x55: {  	[tilespmem:s20], [sflag:$0x2] =	stream.indirect.gather [hbm4b:s4+s17], $0x80, s28, s17, $0xb8;
	[tilespmem:$0x1E400] =	vst v63  }
0x56: {  	s28 =	smov.u32 s26  }
0x57: {  	p0 =	sne.s32 s26, $0xFFFFFC00;
	s26 =	sadd.s32 $0x400, s26;
	_ =	swait.ge [sflag:s21], $0x4000  }
0x58: {  	s28 =	sshra.s32 s28, $0x2;
	[sflag:s21] =	ssyncset.done $0x0  }
.Ltmp1:
0x59: {  	s29 =	sadd.s32 $0x15000, s28;
	[sflag:s21] =	ssyncadd.s32 $0xFFFFC000;
	(pc) =	sbr.rel @p0 .LBB2_4-.Ltmp1, $4  }
0x5a: {  	[tilespmem:s18], [sflag:$0x1] =	stream.indirect.gather [hbm4b:s4+s17], $0x80, s29, s17, $0xb8;
	[tilespmem:$0x1E400] =	vst v63  }
0x5b: {  	_ =	swait.ge [sflag:s22], $0x4000  }
0x5c: {  	[sflag:s22] =	ssyncset.done $0x0  }
0x5d: {  	s28 =	sadd.s32 $0x15080, s28;
	[sflag:s22] =	ssyncadd.s32 $0xFFFFC000  }
0x5e: {  	[tilespmem:s20], [sflag:$0x2] =	stream.indirect.gather [hbm4b:s4+s17], $0x80, s28, s17, $0xb8;
	[tilespmem:$0x1E400] =	vst v63  }
0x5f: {  	_ =	swait.ge [sflag:s21], $0x4000  }
0x60: {  	[sflag:s21] =	ssyncset.done $0x0  }
0x61: {  	[sflag:s21] =	ssyncadd.s32 $0xFFFFC000  }
0x62: {  	[spmem:s2] =	stream.indirect.scatter.add.f32 [tilespmem:s18], [sflag:$0x3], $0x80, s23, s17, $0xb8;
	[tilespmem:$0x1E400] =	vst v63  }
0x63: {  	_ =	swait.ge [sflag:s14], $0x4000  }
0x64: {  	[sflag:s14] =	ssyncset.done $0x0  }
0x65: {  	[sflag:s14] =	ssyncadd.s32 $0xFFFFC000  }
0x66: {  	_ =	swait.ge [sflag:s22], $0x4000  }
0x67: {  	[sflag:s22] =	ssyncset.done $0x0  }
0x68: {  	[sflag:s22] =	ssyncadd.s32 $0xFFFFC000  }
0x69: {  	[spmem:s2] =	stream.indirect.scatter.add.f32 [tilespmem:s20], [sflag:$0x3], $0x80, s24, s17, $0xb8;
	[tilespmem:$0x1E400] =	vst v63  }
0x6a: {  	_ =	swait.ge [sflag:s14], $0x4000  }
0x6b: {  	s25 =	sadd.s32 $0x1, s25;
	[sflag:s14] =	ssyncset.done $0x0  }
0x6c: {  	p0 =	sne.s32 s25, s8;
	[sflag:s14] =	ssyncadd.s32 $0xFFFFC000  }
.Ltmp2:
0x6d: {  	[bflag:$0x0] =	sbarrier.arrive $0xFFFF;
	(pc) =	sbr.rel @p0 .LBB2_1-.Ltmp2, $4  }
0x6e: {  	[hbm:s7], [sflag:s6] =	dma.local [spmem:s13], $0x2780  }
0x6f: {  	_ =	swait.ge [sflag:s14], $0x2780  }
0x70: {  	[sflag:s14] =	ssyncset.done $0x0  }
0x71: {  	[sflag:s14] =	ssyncadd.s32 $0xFFFFD880  }
0x72: {  	_ =	sfence.sel $0x180000  }
0x73: {  	[bflag:$0x0] =	sbarrier.arrive $0xFFFF  }
0x74: {  	p0 =	sne.s32 s1, $0x0;
	_ =	strace $0x9000004D  }
0x75: {  	s0 =	sadd.s32 @!p0 $0x100000, s0;
	[bflag:$0x2] =	sbarrier.arrive $0xFFFF  }
0x76: {  	[sflag:s0] =	ssyncadd.tile.s32 @!p0 $0x1;
	_ =	shalt  }
.Lfunc_end2:
_tile_overlayer_lowered:
.L_overlay_start_2:
0x77: {  	(tag) =	ssettag $0x2  }
0x78: {  	s0 =	rddreg [dreg:$0x0];
	s2 =	stileid.u32  }
0x79: {  	s1 =	rddreg [dreg:$0x1];
	p0 =	sne.s32 s2, $0x0  }
0x7a: {  	s3 =	rddreg [dreg:$0x2];
	[bflag:$0x3] =	sbarrier.arrive $0xFFFF;
	s2 =	simm.s32 @!p0 $0x1C03  }
0x7b: {  	[timem:s3], [sflag:s2] =	dma.local @!p0 [hbm:s0], s1  }
0x7c: {  	s0 =	simm.s32 @!p0 $0x3  }
0x7d: {  	_ =	swait.ge @!p0 [sflag:s0], s1  }
0x7e: {  	s1 =	ssub.s32 @!p0 $0x0, s1;
	[sflag:s0] =	ssyncset.done @!p0 $0x0  }
0x7f: {  	[sflag:s0] =	ssyncadd.s32 @!p0 s1  }
0x80: {  	[bflag:$0x3] =	sbarrier.arrive $0xFFFF  }
0x81: {  	_ =	shalt  }

// kernel: kernel.8.cloned.1.call-start
scs
__scs_entry_jumppad:
0x0: {  	(pc) =	sbr.rel $0x88, $3  }
0x1: {  	(tag) =	ssettag $0x0;
	lr =	simm.s32 $0x1  }
0x2: {  	[smem:$0x3F84] =	sst lr;
	_ =	strace $0xD0000000  }
0x3: {  	_ = 	snop  }
0x4: {  	_ = 	snop  }
0x5: {  	_ = 	snop  }
0x6: {  	_ = 	snop  }
0x7: {  	_ = 	snop  }
__scs_overlays_trampoline_lowered:
0x8: {  	[smem:$0x3F93] =	sst s0  }
0x9: {  	[smem:$0x3F94] =	sst s1  }
0xa: {  	[smem:$0x3F95] =	sst s2  }
0xb: {  	[smem:$0x3F96] =	sst s3  }
0xc: {  	[smem:$0x3F97] =	sst s4  }
0xd: {  	[smem:$0x3F98] =	sst s5  }
0xe: {  	[smem:$0x3F99] =	sst s6  }
0xf: {  	[smem:$0x3F9A] =	sst s7  }
0x10: {  	[smem:$0x3F9B] =	sst s8  }
0x11: {  	[smem:$0x3F9C] =	sst s9;
	s0 =	simm.s32 @!p0 $0x0  }
0x12: {  	s1 =	sld [smem:$0x3F82];
	s0 =	simm.s32 @p0 $0x1  }
0x13: {  	[smem:$0x3F9D] =	sst s0;
	s0 =	simm.s32 @!p1 $0x0  }
0x14: {  	s2 =	sld [smem:$0x3F81];
	s0 =	simm.s32 @p1 $0x1  }
0x15: {  	[smem:$0x3F9E] =	sst s0;
	s0 =	simm.s32 @!p2 $0x0  }
0x16: {  	s3 =	sld [smem:$0x3FDB];
	s0 =	simm.s32 @p2 $0x1  }
0x17: {  	s4 =	simm.s32 $0x1BF5;
	[smem:$0x3FA0] =	sst s0  }
0x18: {  	s0 =	sld [smem:$0x3F83];
	_ =	swait.ge [sflag:s4], $0x0  }
0x19: {  	s7 =	sld [smem:$0x3F84]  }
0x1a: {  	s8 =	sadd.s32 $0xFFFFE003, lr  }
0x1b: {  	s9 =	sadd.s32 $0xFFFFFEF7, lr;
	s5 =	simm.s32 $0xFFFFFFFF;
	p2 =	slt.u32 s8, $0xFFFFF086  }
0x1c: {  	p1 =	slt.u32 s9, $0xF7A;
	s5 =	simm.s32 @!p2 $0x0  }
0x1d: {  	s5 =	simm.s32 @p1 $0x1;
	p0 =	seq.s32 s7, s2  }
0x1e: {  	s7 =	smul.u32 @!p0 $0xF7A, s2;
	p2 =	seq.s32 @!p0 s5, $0x0  }
0x1f: {  	s9 =	smul.u32 $0xF7A, s1;
	s8 =	simm.s32 @!p0 $0x1BF5;
	p2 =	por !p2, p0  }
0x20: {  	[sflag:s8] =	ssyncset.s32 @!p0 $0xFFFFF086;
	s6 =	sadd.s32 @!p0 s3, s7;
	s7 =	simm.s32 @!p0 $0x108  }
0x21: {  	s3 =	sadd.s32 s3, s9;
	s6 =	sadd.s32 @!p0 $0x88, s6;
	s7 =	simm.s32 @p2 $0x1082  }
0x22: {  	[simem:s7], [sflag:s8] =	dma.local @!p0 [hbm:s6], $0xF7A  }
0x23: {  	s9 =	sor.u32 $0xD0000000, s2;
	s6 =	simm.s32 $0x108;
	_ =	swait.ge @!p0 [sflag:s8], $0x0  }
0x24: {  	s3 =	sadd.s32 $0x88, s3;
	s6 =	simm.s32 @!p1 $0x1082;
	[sflag:s4] =	ssyncset.s32 $0xFFFFF086  }
0x25: {  	[simem:s6], [sflag:s4] =	dma.local [hbm:s3], $0xF7A  }
0x26: {  	[smem:$0x3F84] =	sst s1;
	(tag) =	ssettag s2;
	_ =	strace s9  }
0x27: {  	s1 =	sld [smem:$0x3F94]  }
0x28: {  	s2 =	sld [smem:$0x3F95]  }
0x29: {  	s4 =	sld [smem:$0x3F97]  }
0x2a: {  	p0 =	seq.s32 s5, $0x0;
	s5 =	sld [smem:$0x3F98]  }
0x2b: {  	s6 =	sld [smem:$0x3F99]  }
0x2c: {  	s7 =	sld [smem:$0x3F9A]  }
0x2d: {  	s3 =	simm.s32 $0x108;
	s8 =	sld [smem:$0x3F9B]  }
0x2e: {  	s3 =	simm.s32 @!p0 $0x1082;
	s9 =	sld [smem:$0x3F9C]  }
0x2f: {  	lr =	sadd.s32 s0, s3;
	s0 =	sld [smem:$0x3F93]  }
0x30: {  	s3 =	sld [smem:$0x3F96]  }
0x31: {  	[smem:$0x3F9F] =	sst s10  }
0x32: {  	s10 =	sld [smem:$0x3F9D];
	_ =	sdelay $0x3  }
0x33: {  	p0 =	seq.s32 s10, $0x1;
	s10 =	sld [smem:$0x3F9F];
	_ =	sdelay $0x3  }
0x34: {  	[smem:$0x3F9F] =	sst s10  }
0x35: {  	s10 =	sld [smem:$0x3F9E];
	_ =	sdelay $0x3  }
0x36: {  	p1 =	seq.s32 s10, $0x1;
	s10 =	sld [smem:$0x3F9F];
	_ =	sdelay $0x3  }
0x37: {  	[smem:$0x3F9F] =	sst s10  }
0x38: {  	s10 =	sld [smem:$0x3FA0]  }
0x39: {  	_ = 	snop;
	(pc) =	sbr.ind lr, $3  }
0x3a: {  	_ = 	snop  }
0x3b: {  	_ = 	snop  }
0x3c: {  	p2 =	seq.s32 s10, $0x1;
	s10 =	sld [smem:$0x3F9F]  }
0x3d: {  	_ =	shalt  }
0x3e: {  	_ =	shalt  }
0x3f: {  	_ =	shalt  }
0x40: {  	_ =	shalt  }
0x41: {  	_ =	shalt  }
0x42: {  	_ =	shalt  }
0x43: {  	_ =	shalt  }
0x44: {  	_ =	shalt  }
0x45: {  	_ =	shalt  }
0x46: {  	_ =	shalt  }
0x47: {  	_ =	shalt  }
0x48: {  	_ =	shalt  }
0x49: {  	_ =	shalt  }
0x4a: {  	_ =	shalt  }
0x4b: {  	_ =	shalt  }
0x4c: {  	_ =	shalt  }
0x4d: {  	_ =	shalt  }
0x4e: {  	_ =	shalt  }
0x4f: {  	_ =	shalt  }
0x50: {  	_ =	shalt  }
0x51: {  	_ =	shalt  }
0x52: {  	_ =	shalt  }
0x53: {  	_ =	shalt  }
0x54: {  	_ =	shalt  }
0x55: {  	_ =	shalt  }
0x56: {  	_ =	shalt  }
0x57: {  	_ =	shalt  }
0x58: {  	_ =	shalt  }
0x59: {  	_ =	shalt  }
0x5a: {  	_ =	shalt  }
0x5b: {  	_ =	shalt  }
0x5c: {  	_ =	shalt  }
0x5d: {  	_ =	shalt  }
0x5e: {  	_ =	shalt  }
0x5f: {  	_ =	shalt  }
0x60: {  	_ =	shalt  }
0x61: {  	_ =	shalt  }
0x62: {  	_ =	shalt  }
0x63: {  	_ =	shalt  }
0x64: {  	_ =	shalt  }
0x65: {  	_ =	shalt  }
0x66: {  	_ =	shalt  }
0x67: {  	_ =	shalt  }
0x68: {  	_ =	shalt  }
0x69: {  	_ =	shalt  }
0x6a: {  	_ =	shalt  }
0x6b: {  	_ =	shalt  }
0x6c: {  	_ =	shalt  }
0x6d: {  	_ =	shalt  }
0x6e: {  	_ =	shalt  }
0x6f: {  	_ =	shalt  }
0x70: {  	_ =	shalt  }
0x71: {  	_ =	shalt  }
0x72: {  	_ =	shalt  }
0x73: {  	_ =	shalt  }
0x74: {  	_ =	shalt  }
0x75: {  	_ =	shalt  }
0x76: {  	_ =	shalt  }
0x77: {  	_ =	shalt  }
0x78: {  	_ =	shalt  }
0x79: {  	_ =	shalt  }
0x7a: {  	_ =	shalt  }
0x7b: {  	_ =	shalt  }
0x7c: {  	_ =	shalt  }
0x7d: {  	_ =	shalt  }
0x7e: {  	_ =	shalt  }
0x7f: {  	_ =	shalt  }
0x80: {  	_ =	shalt  }
0x81: {  	_ =	shalt  }
0x82: {  	_ =	shalt  }
0x83: {  	_ =	shalt  }
0x84: {  	_ =	shalt  }
0x85: {  	_ =	shalt  }
0x86: {  	_ =	shalt  }
0x87: {  	_ =	shalt  }
.Lfunc_end0:
.L_simem_size_0:
called_computation_lowered:
.L_overlay_start_0:
0x88: {  	s2 =	sld [smem:$0x3FD9]  }
0x89: {  	s3 =	sld [smem:$0x3FFE];
	_ =	sdelay $0x1  }
0x8a: {  	s1 =	srdreg.scid  }
0x8b: {  	s0 =	sand.u32 $0x1, s1  }
0x8c: {  	s16 =	sshll.u32 s0, $0xA;
	s2 =	sadd.s32 s3, s2  }
0x8d: {  	s2 =	sadd.s32 s2, s16  }
0x8e: {  	[smem:$0x3FAB] =	sst s2  }
0x8f: {  	_ = 	snop  }
0x90: {  	(tm) =	ssettm $0x1  }
0x91: {  	s17 =	sld [smem:$0x3FFB];
	_ =	sdelay $0x3  }
0x92: {  	_ =	strace s17  }
0x93: {  	s2 =	sld [smem:$0x3FFC];
	_ =	sdelay $0x3  }
0x94: {  	_ =	strace s2  }
0x95: {  	s2 =	sld [smem:$0x3FFD];
	_ =	sdelay $0x3  }
0x96: {  	_ =	strace s2  }
0x97: {  	_ =	strace $0x8FFFFFFF  }
0x98: {  	s18 =	sld [smem:$0x3FDB];
	_ =	sdelay $0x1  }
0x99: {  	s19 =	simm.s32 $_scs_section_size  }
0x9a: {  	s4 =	simm.s32 $_size__tile_overlayer_lowered;
	s5 =	simm.s32 $_tile_overlayer_lowered  }
0x9b: {  	s22 =	simm.s32 $0x1BFF;
	s21 =	sshll.u32 s5, $0x1;
	s2 =	sadd.s32 s19, s18  }
0x9c: {  	s6 =	simm.s32 $0x0;
	s20 =	sshll.u32 s4, $0x1;
	s4 =	sadd.s32 s21, s2  }
0x9d: {  	[timem:s6], [sflag:s22] =	dma.local [hbm:s4], s20  }
0x9e: {  	_ =	swait.ge [sflag:s22], s20  }
0x9f: {  	s3 =	ssub.s32 $0x0, s20;
	[sflag:s22] =	ssyncset.done $0x0  }
0xa0: {  	[sflag:s22] =	ssyncadd.s32 s3;
	_ =	sdelay $0x1  }
0xa1: {  	s23 =	simm.s32 $0x1B8B  }
0xa2: {  	_ =	swait.ge [sflag:s23], $0x1  }
0xa3: {  	[sflag:s23] =	ssyncset.done $0x0  }
0xa4: {  	s25 =	simm.s32 $0x1B8E;
	s24 =	sld [smem:$0x3FFE];
	[sflag:s23] =	ssyncadd.s32 $0xFFFFFFFF  }
0xa5: {  	s26 =	simm.s32 $execute0_lowered;
	[smem:$0x3FD2] =	sst s25  }
0xa6: {  	s4 =	sshll.u32 s26, $0x1;
	_ =	strace $0x80000046;
	[dreg:$0x1] =	wrdreg $0xFFFFFFFF  }
0xa7: {  	s28 =	simm.s32 $_size_execute0_lowered;
	s2 =	sadd.s32 s2, s4;
	[dreg:$0x0] =	wrdreg $0x0  }
0xa8: {  	s4 =	sshll.u32 s28, $0x1;
	[dreg:$0x2] =	wrdreg s2  }
0xa9: {  	[dreg:$0x3] =	wrdreg s4  }
0xaa: {  	[dreg:$0x4] =	wrdreg $0xC0  }
0xab: {  	_ =	task [dreg:s6], $0x5FFFF  }
0xac: {  	[dreg:$0x1] =	wrdreg $0xFFFFFFFF  }
0xad: {  	[dreg:$0x0] =	wrdreg $0x60  }
0xae: {  	[dreg:$0x2] =	wrdreg s24  }
0xaf: {  	[dreg:$0x3] =	wrdreg $0x0  }
0xb0: {  	[dreg:$0x4] =	wrdreg $0x9  }
0xb1: {  	_ =	task.clear_ibuf [dreg:s6], $0x5FFFF;
	_ =	strace $0x90000046  }
0xb2: {  	s29 =	simm.s32 $0x9;
	_ =	strace $0x80000048  }
0xb3: {  	_ =	swait.ge [sflag:s29], $0x1  }
0xb4: {  	[sflag:s29] =	ssyncadd.s32 $0xFFFFFFFF  }
0xb5: {  	_ =	strace $0x90000048  }
0xb6: {  	_ =	sfence  }
0xb7: {  	s30 =	sld [smem:$0x0];
	_ =	sdelay $0x2  }
0xb8: {  	s31 =	sshll.u32 s1, $0xD;
	s1 =	sshrl.u32 s1, $0x2  }
0xb9: {  	s3 =	sand.u32 $0x4000, s31;
	s1 =	sadd.s32 s1, s30  }
0xba: {  	s0 =	sor.u32 s3, s0;
	s1 =	sshll.u32 s1, $0x11  }
0xbb: {  	s0 =	sor.u32 s1, s0  }
0xbc: {  	s0 =	sadd.s32 $0x8F2B, s0  }
0xbd: {  	[sflag:s0] =	ssyncadd.remote.s32 $0x1  }
0xbe: {  	_ =	sfence.sel $0xFFFF  }
0xbf: {  	[dreg:$0x0] =	wrdreg $0xFFFFFFFF;
	(pc) =	sbr.abs _section_cstart, $3  }
0xc0: {  	[dreg:$0x1] =	wrdreg $0xFFFFFFFF  }
0xc1: {  	_ =	task.clear_ibuf [dreg:s6], $0x2FFFF;
	_ =	strace $0x9FFFFFFF  }
0xc2: {  	(tm) =	ssettm $0x7FFFFFFF  }
0xc3: {  	_ =	shalt  }
tec
execute0_lowered:
.L_overlay_start_1:
0x0: {  	(tag) =	ssettag $0x1  }
0x1: {  	s5 =	rddreg [dreg:$0x0]  }
0x2: {  	s2 =	rddreg [dreg:$0x1]  }
0x3: {  	s0 =	rddreg [dreg:$0x2]  }
0x4: {  	s4 =	srdreg.scid;
	s1 =	stileid.u32;
	s3 =	simm.s32 $0x0  }
0x5: {  	s15 =	simm.s32 $0x13C00;
	s16 =	simm.s32 $0x15000;
	s17 =	simm.s32 $0x80  }
0x6: {  	s18 =	simm.s32 $0x16400;
	s19 =	simm.s32 $0x13C80;
	s20 =	simm.s32 $0x1A400  }
0x7: {  	s21 =	simm.s32 $0x1;
	s22 =	simm.s32 $0x2;
	s23 =	simm.s32 $0x16300  }
0x8: {  	s24 =	simm.s32 $0x16380;
	s25 =	simm.s32 $0x0;
	s7 =	smul.u32 $0x13C00, s1  }
0x9: {  	s6 =	sand.u32 $0x1, s4;
	[smem:$0x7FF] =	sst s3;
	s10 =	smul.u32 $0x4F000, s1  }
0xa: {  	s4 =	sadd.s32 $0x5A00, s5;
	s11 =	sadd.s32 $0x37200, s5;
	s29 =	smul.u32 $0x2800, s1  }
0xb: {  	s12 =	sadd.s32 $0x2D200, s5;
	s31 =	sshll.u32 s1, $0x6;
	s8 =	smul.u32 $0x13C000, s6  }
0xc: {  	_ =	strace $0x80000047;
	s9 =	ssub.s32 $0x2, s6;
	s13 =	smul.u32 $0x28000, s6  }
0xd: {  	s6 =	sor.u32 $0x1C03, s31;
	s26 =	sshrl.u32 s9, $0x1;
	s8 =	sadd.s32 s7, s8  }
0xe: {  	s28 =	sshrl.u32 s10, $0x2;
	s10 =	sadd.s32 s29, s13;
	s8 =	sshrl.u32 s8, $0x3  }
0xf: {  	s30 =	sshrl.u32 s7, $0x3;
	s13 =	sshrl.u32 s10, $0x3;
	s8 =	sadd.s32 s8, s5  }
0x10: {  	s9 =	ssub.s32 s9, s26;
	s10 =	sadd.s32 s12, s13;
	s7 =	sadd.s32 $0x41200, s8  }
0x11: {  	s8 =	smax.u32 s9, $0x1;
	s9 =	sadd.s32 s11, s13;
	s13 =	sadd.s32 $0x280, s13  }
0x12: {  	s14 =	sadd.s32 s28, s2;
	s5 =	sadd.s32 s4, s30;
	s11 =	sadd.s32 s11, s13  }
0x13: {  	s12 =	sadd.s32 s12, s13;
	s13 =	sshrl.u32 s14, $0x3;
	s14 =	simm.s32 $0x3  }
.LBB2_1:
0x14: {  	[spmem:s13], [sflag:s6] =	dma.local [hbm:s5], $0x2780  }
0x15: {  	_ =	swait.ge [sflag:s14], $0x2780  }
0x16: {  	[sflag:s14] =	ssyncset.done $0x0  }
0x17: {  	[sflag:s14] =	ssyncadd.s32 $0xFFFFD880  }
0x18: {  	[bflag:$0x0] =	sbarrier.arrive $0xFFFF  }
0x19: {  	[tilespmem:s15], [sflag:$0x3] =	stream.linear.gather [hbm4b:s9+s3], $0x1400, $0x38;
	[tilespmem:$0x1E400] =	vst v63  }
0x1a: {  	_ =	swait.ge [sflag:s14], $0x1400  }
0x1b: {  	[sflag:s14] =	ssyncset.done $0x0  }
0x1c: {  	[sflag:s14] =	ssyncadd.s32 $0xFFFFEC00  }
0x1d: {  	[tilespmem:s16], [sflag:$0x3] =	stream.linear.gather [hbm4b:s10+s3], $0x1400, $0x38;
	[tilespmem:$0x1E400] =	vst v63  }
0x1e: {  	_ =	swait.ge [sflag:s14], $0x1400  }
0x1f: {  	[sflag:s14] =	ssyncset.done $0x0  }
0x20: {  	[sflag:s14] =	ssyncadd.s32 $0xFFFFEC00  }
0x21: {  	[tilespmem:s18], [sflag:$0x1] =	stream.indirect.gather [hbm4b:s4+s17], $0x80, s15, s17, $0xb8;
	[tilespmem:$0x1E400] =	vst v63  }
0x22: {  	_ = 	snop  }
0x23: {  	[tilespmem:s20], [sflag:$0x2] =	stream.indirect.gather [hbm4b:s4+s17], $0x80, s19, s17, $0xb8;
	[tilespmem:$0x1E400] =	vst v63  }
0x24: {  	_ =	swait.ge [sflag:s21], $0x4000  }
0x25: {  	[sflag:s21] =	ssyncset.done $0x0  }
0x26: {  	s26 =	simm.s32 $0x13D00;
	[sflag:s21] =	ssyncadd.s32 $0xFFFFC000  }
0x27: {  	[tilespmem:s18], [sflag:$0x1] =	stream.indirect.gather [hbm4b:s4+s17], $0x80, s26, s17, $0xb8;
	[tilespmem:$0x1E400] =	vst v63  }
0x28: {  	_ =	swait.ge [sflag:s22], $0x4000  }
0x29: {  	[sflag:s22] =	ssyncset.done $0x0  }
0x2a: {  	s28 =	simm.s32 $0x13D80;
	s26 =	simm.s32 $0xFFFFB800;
	[sflag:s22] =	ssyncadd.s32 $0xFFFFC000  }
.LBB2_2:
0x2b: {  	[tilespmem:s20], [sflag:$0x2] =	stream.indirect.gather [hbm4b:s4+s17], $0x80, s28, s17, $0xb8;
	[tilespmem:$0x1E400] =	vst v63  }
0x2c: {  	s28 =	smov.u32 s26  }
0x2d: {  	p0 =	sne.s32 s26, $0xFFFFFC00;
	s26 =	sadd.s32 $0x400, s26;
	_ =	swait.ge [sflag:s21], $0x4000  }
0x2e: {  	s28 =	sshra.s32 s28, $0x2;
	[sflag:s21] =	ssyncset.done $0x0  }
.Ltmp0:
0x2f: {  	s29 =	sadd.s32 $0x15000, s28;
	[sflag:s21] =	ssyncadd.s32 $0xFFFFC000;
	(pc) =	sbr.rel @p0 .LBB2_2-.Ltmp0, $4  }
0x30: {  	[tilespmem:s18], [sflag:$0x1] =	stream.indirect.gather [hbm4b:s4+s17], $0x80, s29, s17, $0xb8;
	[tilespmem:$0x1E400] =	vst v63  }
0x31: {  	_ =	swait.ge [sflag:s22], $0x4000  }
0x32: {  	[sflag:s22] =	ssyncset.done $0x0  }
0x33: {  	s28 =	sadd.s32 $0x15080, s28;
	[sflag:s22] =	ssyncadd.s32 $0xFFFFC000  }
0x34: {  	[tilespmem:s20], [sflag:$0x2] =	stream.indirect.gather [hbm4b:s4+s17], $0x80, s28, s17, $0xb8;
	[tilespmem:$0x1E400] =	vst v63  }
0x35: {  	_ =	swait.ge [sflag:s21], $0x4000  }
0x36: {  	[sflag:s21] =	ssyncset.done $0x0  }
0x37: {  	[sflag:s21] =	ssyncadd.s32 $0xFFFFC000  }
0x38: {  	[spmem:s2] =	stream.indirect.scatter.add.f32 [tilespmem:s18], [sflag:$0x3], $0x80, s23, s17, $0xb8;
	[tilespmem:$0x1E400] =	vst v63  }
0x39: {  	_ =	swait.ge [sflag:s14], $0x4000  }
0x3a: {  	[sflag:s14] =	ssyncset.done $0x0  }
0x3b: {  	[sflag:s14] =	ssyncadd.s32 $0xFFFFC000  }
0x3c: {  	_ =	swait.ge [sflag:s22], $0x4000  }
0x3d: {  	[sflag:s22] =	ssyncset.done $0x0  }
0x3e: {  	[sflag:s22] =	ssyncadd.s32 $0xFFFFC000  }
0x3f: {  	[spmem:s2] =	stream.indirect.scatter.add.f32 [tilespmem:s20], [sflag:$0x3], $0x80, s24, s17, $0xb8;
	[tilespmem:$0x1E400] =	vst v63  }
0x40: {  	_ =	swait.ge [sflag:s14], $0x4000  }
0x41: {  	[sflag:s14] =	ssyncset.done $0x0  }
0x42: {  	[sflag:s14] =	ssyncadd.s32 $0xFFFFC000  }
0x43: {  	[tilespmem:s15], [sflag:$0x3] =	stream.linear.gather [hbm4b:s11+s3], $0x1400, $0x38;
	[tilespmem:$0x1E400] =	vst v63  }
0x44: {  	_ =	swait.ge [sflag:s14], $0x1400  }
0x45: {  	[sflag:s14] =	ssyncset.done $0x0  }
0x46: {  	[sflag:s14] =	ssyncadd.s32 $0xFFFFEC00  }
0x47: {  	[tilespmem:s16], [sflag:$0x3] =	stream.linear.gather [hbm4b:s12+s3], $0x1400, $0x38;
	[tilespmem:$0x1E400] =	vst v63  }
0x48: {  	_ =	swait.ge [sflag:s14], $0x1400  }
0x49: {  	[sflag:s14] =	ssyncset.done $0x0  }
0x4a: {  	[sflag:s14] =	ssyncadd.s32 $0xFFFFEC00  }
0x4b: {  	[tilespmem:s18], [sflag:$0x1] =	stream.indirect.gather [hbm4b:s4+s17], $0x80, s15, s17, $0xb8;
	[tilespmem:$0x1E400] =	vst v63  }
0x4c: {  	_ = 	snop  }
0x4d: {  	[tilespmem:s20], [sflag:$0x2] =	stream.indirect.gather [hbm4b:s4+s17], $0x80, s19, s17, $0xb8;
	[tilespmem:$0x1E400] =	vst v63  }
0x4e: {  	_ =	swait.ge [sflag:s21], $0x4000  }
0x4f: {  	[sflag:s21] =	ssyncset.done $0x0  }
0x50: {  	s26 =	simm.s32 $0x13D00;
	[sflag:s21] =	ssyncadd.s32 $0xFFFFC000  }
0x51: {  	[tilespmem:s18], [sflag:$0x1] =	stream.indirect.gather [hbm4b:s4+s17], $0x80, s26, s17, $0xb8;
	[tilespmem:$0x1E400] =	vst v63  }
0x52: {  	_ =	swait.ge [sflag:s22], $0x4000  }
0x53: {  	[sflag:s22] =	ssyncset.done $0x0  }
0x54: {  	s28 =	simm.s32 $0x13D80;
	s26 =	simm.s32 $0xFFFFB800;
	[sflag:s22] =	ssyncadd.s32 $0xFFFFC000  }
.LBB2_4:
0x55: {  	[tilespmem:s20], [sflag:$0x2] =	stream.indirect.gather [hbm4b:s4+s17], $0x80, s28, s17, $0xb8;
	[tilespmem:$0x1E400] =	vst v63  }
0x56: {  	s28 =	smov.u32 s26  }
0x57: {  	p0 =	sne.s32 s26, $0xFFFFFC00;
	s26 =	sadd.s32 $0x400, s26;
	_ =	swait.ge [sflag:s21], $0x4000  }
0x58: {  	s28 =	sshra.s32 s28, $0x2;
	[sflag:s21] =	ssyncset.done $0x0  }
.Ltmp1:
0x59: {  	s29 =	sadd.s32 $0x15000, s28;
	[sflag:s21] =	ssyncadd.s32 $0xFFFFC000;
	(pc) =	sbr.rel @p0 .LBB2_4-.Ltmp1, $4  }
0x5a: {  	[tilespmem:s18], [sflag:$0x1] =	stream.indirect.gather [hbm4b:s4+s17], $0x80, s29, s17, $0xb8;
	[tilespmem:$0x1E400] =	vst v63  }
0x5b: {  	_ =	swait.ge [sflag:s22], $0x4000  }
0x5c: {  	[sflag:s22] =	ssyncset.done $0x0  }
0x5d: {  	s28 =	sadd.s32 $0x15080, s28;
	[sflag:s22] =	ssyncadd.s32 $0xFFFFC000  }
0x5e: {  	[tilespmem:s20], [sflag:$0x2] =	stream.indirect.gather [hbm4b:s4+s17], $0x80, s28, s17, $0xb8;
	[tilespmem:$0x1E400] =	vst v63  }
0x5f: {  	_ =	swait.ge [sflag:s21], $0x4000  }
0x60: {  	[sflag:s21] =	ssyncset.done $0x0  }
0x61: {  	[sflag:s21] =	ssyncadd.s32 $0xFFFFC000  }
0x62: {  	[spmem:s2] =	stream.indirect.scatter.add.f32 [tilespmem:s18], [sflag:$0x3], $0x80, s23, s17, $0xb8;
	[tilespmem:$0x1E400] =	vst v63  }
0x63: {  	_ =	swait.ge [sflag:s14], $0x4000  }
0x64: {  	[sflag:s14] =	ssyncset.done $0x0  }
0x65: {  	[sflag:s14] =	ssyncadd.s32 $0xFFFFC000  }
0x66: {  	_ =	swait.ge [sflag:s22], $0x4000  }
0x67: {  	[sflag:s22] =	ssyncset.done $0x0  }
0x68: {  	[sflag:s22] =	ssyncadd.s32 $0xFFFFC000  }
0x69: {  	[spmem:s2] =	stream.indirect.scatter.add.f32 [tilespmem:s20], [sflag:$0x3], $0x80, s24, s17, $0xb8;
	[tilespmem:$0x1E400] =	vst v63  }
0x6a: {  	_ =	swait.ge [sflag:s14], $0x4000  }
0x6b: {  	s25 =	sadd.s32 $0x1, s25;
	[sflag:s14] =	ssyncset.done $0x0  }
0x6c: {  	p0 =	sne.s32 s25, s8;
	[sflag:s14] =	ssyncadd.s32 $0xFFFFC000  }
.Ltmp2:
0x6d: {  	[bflag:$0x0] =	sbarrier.arrive $0xFFFF;
	(pc) =	sbr.rel @p0 .LBB2_1-.Ltmp2, $4  }
0x6e: {  	[hbm:s7], [sflag:s6] =	dma.local [spmem:s13], $0x2780  }
0x6f: {  	_ =	swait.ge [sflag:s14], $0x2780  }
0x70: {  	[sflag:s14] =	ssyncset.done $0x0  }
0x71: {  	[sflag:s14] =	ssyncadd.s32 $0xFFFFD880  }
0x72: {  	_ =	sfence.sel $0x180000  }
0x73: {  	[bflag:$0x0] =	sbarrier.arrive $0xFFFF  }
0x74: {  	p0 =	sne.s32 s1, $0x0;
	_ =	strace $0x90000047  }
0x75: {  	s0 =	sadd.s32 @!p0 $0x100000, s0;
	[bflag:$0x2] =	sbarrier.arrive $0xFFFF  }
0x76: {  	[sflag:s0] =	ssyncadd.tile.s32 @!p0 $0x1;
	_ =	shalt  }
.Lfunc_end2:
_tile_overlayer_lowered:
.L_overlay_start_2:
0x77: {  	(tag) =	ssettag $0x2  }
0x78: {  	s0 =	rddreg [dreg:$0x0];
	s2 =	stileid.u32  }
0x79: {  	s1 =	rddreg [dreg:$0x1];
	p0 =	sne.s32 s2, $0x0  }
0x7a: {  	s3 =	rddreg [dreg:$0x2];
	[bflag:$0x3] =	sbarrier.arrive $0xFFFF;
	s2 =	simm.s32 @!p0 $0x1C03  }
0x7b: {  	[timem:s3], [sflag:s2] =	dma.local @!p0 [hbm:s0], s1  }
0x7c: {  	s0 =	simm.s32 @!p0 $0x3  }
0x7d: {  	_ =	swait.ge @!p0 [sflag:s0], s1  }
0x7e: {  	s1 =	ssub.s32 @!p0 $0x0, s1;
	[sflag:s0] =	ssyncset.done @!p0 $0x0  }
0x7f: {  	[sflag:s0] =	ssyncadd.s32 @!p0 s1  }
0x80: {  	[bflag:$0x3] =	sbarrier.arrive $0xFFFF  }
0x81: {  	_ =	shalt  }

</sc_bundles>
